<compile_context>
chip_gen: v7x
topology: tpu7x:2x2x1
jax: 0.10.2.dev20260603
libtpu: 0.0.44.dev20260713+nightly
codegen_flags: <defaults>
</compile_context>

<pallas_src>
import functools

import jax
import jax.numpy as jnp
from jax import lax
from jax.experimental import pallas as pl
from jax.experimental.pallas import tpu as pltpu
from jax.experimental.pallas import tpu_sc as plsc

K = 262144
D = 128
B = 16384
PTR = 4096


R = 4096
P = 2
RP = R * P
NB = B // R
PB = PTR // R
NG = K // RP


def _q_idx(j):
    in_win = jnp.logical_and(j >= PB, j < PB + NB)
    return jnp.where(in_win, PB - 1, j)


def _f_idx(j):
    return jnp.clip(j - PB, 0, NB - 1)


def _tc_body(*refs):
    qc = refs[0:P]
    fc = refs[P:2 * P]
    qv = refs[2 * P:3 * P]
    fv = refs[3 * P:4 * P]
    oc, ov = refs[4 * P:4 * P + 2]

    i = pl.program_id(0)
    for h in range(P):
        j = i * P + h
        in_win = jnp.logical_and(j >= PB, j < PB + NB)
        sl = pl.ds(h * R, R)

        @pl.when(in_win)
        def _(h=h, sl=sl):
            oc[sl, :] = fc[h][...]
            ov[sl, :] = fv[h][...]

        @pl.when(jnp.logical_not(in_win))
        def _(h=h, sl=sl):
            oc[sl, :] = qc[h][...]
            ov[sl, :] = qv[h][...]


def _tc_call(queue_cnn, queue_vit, feat_cnn, feat_vit):
    def qmap(h):
        return lambda i: (_q_idx(i * P + h), 0)

    def fmap(h):
        return lambda i: (_f_idx(i * P + h), 0)

    in_specs = []
    args = []
    for arr, feat in ((queue_cnn, feat_cnn), (queue_vit, feat_vit)):
        for h in range(P):
            in_specs.append(pl.BlockSpec((R, D), qmap(h)))
            args.append(arr)
        for h in range(P):
            in_specs.append(pl.BlockSpec((R, D), fmap(h)))
            args.append(feat)

    return pl.pallas_call(
        _tc_body,
        grid=(NG,),
        in_specs=in_specs,
        out_specs=[
            pl.BlockSpec((RP, D), lambda i: (i, 0)),
            pl.BlockSpec((RP, D), lambda i: (i, 0)),
        ],
        out_shape=[
            jax.ShapeDtypeStruct((K, D), jnp.float32),
            jax.ShapeDtypeStruct((K, D), jnp.float32),
        ],
    )(*args)



NW = 32
LC = 512
CH_A = (K - B) // LC // NW
CH_B = B // LC // NW


def _sc_body(ql, lb, ol, b0, b1, si0, si1, so0, so1):
    wid = lax.axis_index("s") * 2 + lax.axis_index("c")
    bufs = (b0, b1)
    sin = (si0, si1)
    sout = (so0, so1)

    steps = []
    for i in range(CH_A):
        r = (wid * CH_A + i) * LC
        row = jnp.where(r < PTR, r, r + B)
        steps.append((ql.at[pl.ds(row, LC)], ol.at[pl.ds(row, LC)]))
    for i in range(CH_B):
        j = wid * CH_B + i
        steps.append((lb.at[pl.ds(j * LC, LC)],
                      ol.at[pl.ds(PTR + j * LC, LC)]))

    n = len(steps)
    in_dma = [None] * n
    out_dma = [None] * n
    for i, (src, dst) in enumerate(steps):
        if i >= 2:
            out_dma[i - 2].wait()
        in_dma[i] = pltpu.async_copy(src, bufs[i % 2], sin[i % 2])
        if i >= 1:
            in_dma[i - 1].wait()
            out_dma[i - 1] = pltpu.async_copy(
                bufs[(i - 1) % 2], steps[i - 1][1], sout[(i - 1) % 2])
    in_dma[n - 1].wait()
    out_dma[n - 1] = pltpu.async_copy(bufs[(n - 1) % 2], steps[n - 1][1],
                                      sout[(n - 1) % 2])
    out_dma[n - 2].wait()
    out_dma[n - 1].wait()


_sc_call = functools.partial(
    pl.kernel,
    mesh=plsc.VectorSubcoreMesh(core_axis_name="c", subcore_axis_name="s"),
    out_type=jax.ShapeDtypeStruct((K,), jnp.int32),
    scratch_types=[
        pltpu.VMEM((LC,), jnp.int32),
        pltpu.VMEM((LC,), jnp.int32),
        pltpu.SemaphoreType.DMA,
        pltpu.SemaphoreType.DMA,
        pltpu.SemaphoreType.DMA,
        pltpu.SemaphoreType.DMA,
    ],
)(_sc_body)


def kernel(queue_cnn, queue_vit, queue_labels, queue_ptr, feat_cnn,
           feat_vit, labels):
    new_ql = _sc_call(queue_labels, labels)
    new_qc, new_qv = _tc_call(queue_cnn, queue_vit, feat_cnn, feat_vit)
    ptr = jnp.asarray(queue_ptr, jnp.int32)
    new_ptr = ((ptr + B) % K).astype(jnp.int32)
    return (new_qc, new_qv, new_ql, new_ptr)

# --- scband reference (transcript-rebuilt; emitter-appended) ---
"""Pipeline reference for scband-cass-gdrnet-35347580846368 (READ-ONLY COPY).

The authoritative reference and input builder live on the scoring server;
editing this copy changes nothing except your own understanding.
"""

import jax, jax.numpy as jnp
import numpy as np

K = 262144
D = 128
B = 16384
NUM_CLASSES = 1000


def setup_inputs(seed: int = 0) -> dict:
    key = jax.random.key(seed)
    ks = jax.random.split(key, 6)
    queue_cnn = jax.random.normal(ks[0], (K, D), dtype=jnp.float32)
    queue_cnn = queue_cnn / (jnp.linalg.norm(queue_cnn, axis=-1, keepdims=True) + 1e-12)
    queue_vit = jax.random.normal(ks[1], (K, D), dtype=jnp.float32)
    queue_vit = queue_vit / (jnp.linalg.norm(queue_vit, axis=-1, keepdims=True) + 1e-12)
    queue_labels = jax.random.randint(ks[2], (K,), 0, NUM_CLASSES).astype(jnp.int32)
    feat_cnn = jax.random.normal(ks[3], (B, D), dtype=jnp.float32)
    feat_vit = jax.random.normal(ks[4], (B, D), dtype=jnp.float32)
    labels = jax.random.randint(ks[5], (B,), 0, NUM_CLASSES).astype(jnp.int32)
    return {
        "queue_cnn": queue_cnn,
        "queue_vit": queue_vit,
        "queue_labels": queue_labels,
        "queue_ptr": 4096,
        "feat_cnn": feat_cnn,
        "feat_vit": feat_vit,
        "labels": labels,
    }


def reference(queue_cnn, queue_vit, queue_labels, queue_ptr, feat_cnn, feat_vit, labels):
    # Faithful port of CASS_GDRNet.dequeue_and_enqueue:
    #   feat_cnn = feat_cnn.float(); feat_vit = feat_vit.float()
    #   replace_idx = (ptr + arange(B)) % K
    #   queue_cnn[replace_idx, :] = feat_cnn
    #   queue_vit[replace_idx, :] = feat_vit
    #   queue_labels[replace_idx] = labels
    #   ptr = (ptr + B) % K
    batch_size = feat_cnn.shape[0]
    Kq = queue_cnn.shape[0]
    feat_cnn = feat_cnn.astype(jnp.float32)
    feat_vit = feat_vit.astype(jnp.float32)
    replace_idx = (queue_ptr + jnp.arange(batch_size)) % Kq
    new_queue_cnn = queue_cnn.at[replace_idx, :].set(feat_cnn)
    new_queue_vit = queue_vit.at[replace_idx, :].set(feat_vit)
    new_queue_labels = queue_labels.at[replace_idx].set(labels)
    new_ptr = jnp.asarray((queue_ptr + batch_size) % Kq, dtype=jnp.int32)
    return (new_queue_cnn, new_queue_vit, new_queue_labels, new_ptr)

if __name__ == "__main__":
    import jax
    _d = setup_inputs()
    print(jax.jit(kernel)(*tuple(_d.values())))

</pallas_src>

<mosaic_0001>
#map = affine_map<(d0, d1) -> (0)>
module attributes {stable_mosaic.version = 14 : i64} {
  func.func @_sc_body(%arg0: i32, %arg1: i32, %arg2: memref<262144xi32, #tpu.memory_space<hbm>>, %arg3: memref<16384xi32, #tpu.memory_space<hbm>>, %arg4: memref<262144xi32, #tpu.memory_space<hbm>>, %arg5: memref<512xi32, #tpu.memory_space<vmem>>, %arg6: memref<512xi32, #tpu.memory_space<vmem>>, %arg7: memref<!tpu.dma_semaphore, #tpu.memory_space<semaphore_mem>>, %arg8: memref<!tpu.dma_semaphore, #tpu.memory_space<semaphore_mem>>, %arg9: memref<!tpu.dma_semaphore, #tpu.memory_space<semaphore_mem>>, %arg10: memref<!tpu.dma_semaphore, #tpu.memory_space<semaphore_mem>>) attributes {dimension_semantics = [#tpu.dimension_semantics<core_parallel>, #tpu.dimension_semantics<subcore_parallel>], iteration_bounds = array<i64: 2, 16>, scalar_prefetch = 0 : i64, scratch_operands = 6 : i64, tpu.core_type = #tpu.core_type<sc_vector_subcore>, window_params = [{transform_indices = #map}, {transform_indices = #map}, {transform_indices = #map}]} {
    %mul3A = arith.constant 2 : i32
    %mul3A_0 = arith.muli %arg1, %mul3A : i32
    %add3A = arith.addi %mul3A_0, %arg0 : i32
    %mul3A_1 = arith.constant 15 : i32
    %mul3A_2 = arith.muli %add3A, %mul3A_1 : i32
    %add3A_3 = arith.constant 0 : i32
    %add3A_4 = arith.addi %mul3A_2, %add3A_3 : i32
    %mul3A_5 = arith.constant 512 : i32
    %mul3A_6 = arith.muli %add3A_4, %mul3A_5 : i32
    %lt3A = arith.constant 4096 : i32
    %lt3A_7 = arith.cmpi slt, %mul3A_6, %lt3A : i32
    %add3A_8 = arith.constant 16384 : i32
    %add3A_9 = arith.addi %mul3A_6, %add3A_8 : i32
    %select_n3A = arith.select %lt3A_7, %mul3A_6, %add3A_9 : i32
    %mul3A_10 = arith.constant 15 : i32
    %mul3A_11 = arith.muli %add3A, %mul3A_10 : i32
    %add3A_12 = arith.constant 1 : i32
    %add3A_13 = arith.addi %mul3A_11, %add3A_12 : i32
    %mul3A_14 = arith.constant 512 : i32
    %mul3A_15 = arith.muli %add3A_13, %mul3A_14 : i32
    %lt3A_16 = arith.constant 4096 : i32
    %lt3A_17 = arith.cmpi slt, %mul3A_15, %lt3A_16 : i32
    %add3A_18 = arith.constant 16384 : i32
    %add3A_19 = arith.addi %mul3A_15, %add3A_18 : i32
    %select_n3A_20 = arith.select %lt3A_17, %mul3A_15, %add3A_19 : i32
    %mul3A_21 = arith.constant 15 : i32
    %mul3A_22 = arith.muli %add3A, %mul3A_21 : i32
    %add3A_23 = arith.constant 2 : i32
    %add3A_24 = arith.addi %mul3A_22, %add3A_23 : i32
    %mul3A_25 = arith.constant 512 : i32
    %mul3A_26 = arith.muli %add3A_24, %mul3A_25 : i32
    %lt3A_27 = arith.constant 4096 : i32
    %lt3A_28 = arith.cmpi slt, %mul3A_26, %lt3A_27 : i32
    %add3A_29 = arith.constant 16384 : i32
    %add3A_30 = arith.addi %mul3A_26, %add3A_29 : i32
    %select_n3A_31 = arith.select %lt3A_28, %mul3A_26, %add3A_30 : i32
    %mul3A_32 = arith.constant 15 : i32
    %mul3A_33 = arith.muli %add3A, %mul3A_32 : i32
    %add3A_34 = arith.constant 3 : i32
    %add3A_35 = arith.addi %mul3A_33, %add3A_34 : i32
    %mul3A_36 = arith.constant 512 : i32
    %mul3A_37 = arith.muli %add3A_35, %mul3A_36 : i32
    %lt3A_38 = arith.constant 4096 : i32
    %lt3A_39 = arith.cmpi slt, %mul3A_37, %lt3A_38 : i32
    %add3A_40 = arith.constant 16384 : i32
    %add3A_41 = arith.addi %mul3A_37, %add3A_40 : i32
    %select_n3A_42 = arith.select %lt3A_39, %mul3A_37, %add3A_41 : i32
    %mul3A_43 = arith.constant 15 : i32
    %mul3A_44 = arith.muli %add3A, %mul3A_43 : i32
    %add3A_45 = arith.constant 4 : i32
    %add3A_46 = arith.addi %mul3A_44, %add3A_45 : i32
    %mul3A_47 = arith.constant 512 : i32
    %mul3A_48 = arith.muli %add3A_46, %mul3A_47 : i32
    %lt3A_49 = arith.constant 4096 : i32
    %lt3A_50 = arith.cmpi slt, %mul3A_48, %lt3A_49 : i32
    %add3A_51 = arith.constant 16384 : i32
    %add3A_52 = arith.addi %mul3A_48, %add3A_51 : i32
    %select_n3A_53 = arith.select %lt3A_50, %mul3A_48, %add3A_52 : i32
    %mul3A_54 = arith.constant 15 : i32
    %mul3A_55 = arith.muli %add3A, %mul3A_54 : i32
    %add3A_56 = arith.constant 5 : i32
    %add3A_57 = arith.addi %mul3A_55, %add3A_56 : i32
    %mul3A_58 = arith.constant 512 : i32
    %mul3A_59 = arith.muli %add3A_57, %mul3A_58 : i32
    %lt3A_60 = arith.constant 4096 : i32
    %lt3A_61 = arith.cmpi slt, %mul3A_59, %lt3A_60 : i32
    %add3A_62 = arith.constant 16384 : i32
    %add3A_63 = arith.addi %mul3A_59, %add3A_62 : i32
    %select_n3A_64 = arith.select %lt3A_61, %mul3A_59, %add3A_63 : i32
    %mul3A_65 = arith.constant 15 : i32
    %mul3A_66 = arith.muli %add3A, %mul3A_65 : i32
    %add3A_67 = arith.constant 6 : i32
    %add3A_68 = arith.addi %mul3A_66, %add3A_67 : i32
    %mul3A_69 = arith.constant 512 : i32
    %mul3A_70 = arith.muli %add3A_68, %mul3A_69 : i32
    %lt3A_71 = arith.constant 4096 : i32
    %lt3A_72 = arith.cmpi slt, %mul3A_70, %lt3A_71 : i32
    %add3A_73 = arith.constant 16384 : i32
    %add3A_74 = arith.addi %mul3A_70, %add3A_73 : i32
    %select_n3A_75 = arith.select %lt3A_72, %mul3A_70, %add3A_74 : i32
    %mul3A_76 = arith.constant 15 : i32
    %mul3A_77 = arith.muli %add3A, %mul3A_76 : i32
    %add3A_78 = arith.constant 7 : i32
    %add3A_79 = arith.addi %mul3A_77, %add3A_78 : i32
    %mul3A_80 = arith.constant 512 : i32
    %mul3A_81 = arith.muli %add3A_79, %mul3A_80 : i32
    %lt3A_82 = arith.constant 4096 : i32
    %lt3A_83 = arith.cmpi slt, %mul3A_81, %lt3A_82 : i32
    %add3A_84 = arith.constant 16384 : i32
    %add3A_85 = arith.addi %mul3A_81, %add3A_84 : i32
    %select_n3A_86 = arith.select %lt3A_83, %mul3A_81, %add3A_85 : i32
    %mul3A_87 = arith.constant 15 : i32
    %mul3A_88 = arith.muli %add3A, %mul3A_87 : i32
    %add3A_89 = arith.constant 8 : i32
    %add3A_90 = arith.addi %mul3A_88, %add3A_89 : i32
    %mul3A_91 = arith.constant 512 : i32
    %mul3A_92 = arith.muli %add3A_90, %mul3A_91 : i32
    %lt3A_93 = arith.constant 4096 : i32
    %lt3A_94 = arith.cmpi slt, %mul3A_92, %lt3A_93 : i32
    %add3A_95 = arith.constant 16384 : i32
    %add3A_96 = arith.addi %mul3A_92, %add3A_95 : i32
    %select_n3A_97 = arith.select %lt3A_94, %mul3A_92, %add3A_96 : i32
    %mul3A_98 = arith.constant 15 : i32
    %mul3A_99 = arith.muli %add3A, %mul3A_98 : i32
    %add3A_100 = arith.constant 9 : i32
    %add3A_101 = arith.addi %mul3A_99, %add3A_100 : i32
    %mul3A_102 = arith.constant 512 : i32
    %mul3A_103 = arith.muli %add3A_101, %mul3A_102 : i32
    %lt3A_104 = arith.constant 4096 : i32
    %lt3A_105 = arith.cmpi slt, %mul3A_103, %lt3A_104 : i32
    %add3A_106 = arith.constant 16384 : i32
    %add3A_107 = arith.addi %mul3A_103, %add3A_106 : i32
    %select_n3A_108 = arith.select %lt3A_105, %mul3A_103, %add3A_107 : i32
    %mul3A_109 = arith.constant 15 : i32
    %mul3A_110 = arith.muli %add3A, %mul3A_109 : i32
    %add3A_111 = arith.constant 10 : i32
    %add3A_112 = arith.addi %mul3A_110, %add3A_111 : i32
    %mul3A_113 = arith.constant 512 : i32
    %mul3A_114 = arith.muli %add3A_112, %mul3A_113 : i32
    %lt3A_115 = arith.constant 4096 : i32
    %lt3A_116 = arith.cmpi slt, %mul3A_114, %lt3A_115 : i32
    %add3A_117 = arith.constant 16384 : i32
    %add3A_118 = arith.addi %mul3A_114, %add3A_117 : i32
    %select_n3A_119 = arith.select %lt3A_116, %mul3A_114, %add3A_118 : i32
    %mul3A_120 = arith.constant 15 : i32
    %mul3A_121 = arith.muli %add3A, %mul3A_120 : i32
    %add3A_122 = arith.constant 11 : i32
    %add3A_123 = arith.addi %mul3A_121, %add3A_122 : i32
    %mul3A_124 = arith.constant 512 : i32
    %mul3A_125 = arith.muli %add3A_123, %mul3A_124 : i32
    %lt3A_126 = arith.constant 4096 : i32
    %lt3A_127 = arith.cmpi slt, %mul3A_125, %lt3A_126 : i32
    %add3A_128 = arith.constant 16384 : i32
    %add3A_129 = arith.addi %mul3A_125, %add3A_128 : i32
    %select_n3A_130 = arith.select %lt3A_127, %mul3A_125, %add3A_129 : i32
    %mul3A_131 = arith.constant 15 : i32
    %mul3A_132 = arith.muli %add3A, %mul3A_131 : i32
    %add3A_133 = arith.constant 12 : i32
    %add3A_134 = arith.addi %mul3A_132, %add3A_133 : i32
    %mul3A_135 = arith.constant 512 : i32
    %mul3A_136 = arith.muli %add3A_134, %mul3A_135 : i32
    %lt3A_137 = arith.constant 4096 : i32
    %lt3A_138 = arith.cmpi slt, %mul3A_136, %lt3A_137 : i32
    %add3A_139 = arith.constant 16384 : i32
    %add3A_140 = arith.addi %mul3A_136, %add3A_139 : i32
    %select_n3A_141 = arith.select %lt3A_138, %mul3A_136, %add3A_140 : i32
    %mul3A_142 = arith.constant 15 : i32
    %mul3A_143 = arith.muli %add3A, %mul3A_142 : i32
    %add3A_144 = arith.constant 13 : i32
    %add3A_145 = arith.addi %mul3A_143, %add3A_144 : i32
    %mul3A_146 = arith.constant 512 : i32
    %mul3A_147 = arith.muli %add3A_145, %mul3A_146 : i32
    %lt3A_148 = arith.constant 4096 : i32
    %lt3A_149 = arith.cmpi slt, %mul3A_147, %lt3A_148 : i32
    %add3A_150 = arith.constant 16384 : i32
    %add3A_151 = arith.addi %mul3A_147, %add3A_150 : i32
    %select_n3A_152 = arith.select %lt3A_149, %mul3A_147, %add3A_151 : i32
    %mul3A_153 = arith.constant 15 : i32
    %mul3A_154 = arith.muli %add3A, %mul3A_153 : i32
    %add3A_155 = arith.constant 14 : i32
    %add3A_156 = arith.addi %mul3A_154, %add3A_155 : i32
    %mul3A_157 = arith.constant 512 : i32
    %mul3A_158 = arith.muli %add3A_156, %mul3A_157 : i32
    %lt3A_159 = arith.constant 4096 : i32
    %lt3A_160 = arith.cmpi slt, %mul3A_158, %lt3A_159 : i32
    %add3A_161 = arith.constant 16384 : i32
    %add3A_162 = arith.addi %mul3A_158, %add3A_161 : i32
    %select_n3A_163 = arith.select %lt3A_160, %mul3A_158, %add3A_162 : i32
    %mul3A_164 = arith.constant 1 : i32
    %mul3A_165 = arith.muli %add3A, %mul3A_164 : i32
    %add3A_166 = arith.constant 0 : i32
    %add3A_167 = arith.addi %mul3A_165, %add3A_166 : i32
    %mul3A_168 = arith.constant 512 : i32
    %mul3A_169 = arith.muli %add3A_167, %mul3A_168 : i32
    %mul3A_170 = arith.constant 512 : i32
    %mul3A_171 = arith.muli %add3A_167, %mul3A_170 : i32
    %add3A_172 = arith.constant 4096 : i32
    %add3A_173 = arith.addi %add3A_172, %mul3A_171 : i32
    %dma_start3A = tpu.memref_slice %arg2[%select_n3A] : memref<262144xi32, #tpu.memory_space<hbm>> -> memref<512xi32, #tpu.memory_space<hbm>>
    %dma_start3A_174 = tpu.memref_slice %arg2[%select_n3A] : memref<262144xi32, #tpu.memory_space<hbm>> -> memref<512xi32, #tpu.memory_space<hbm>>
    tpu.enqueue_dma source(%dma_start3A_174 : memref<512xi32, #tpu.memory_space<hbm>>) target(%arg5 : memref<512xi32, #tpu.memory_space<vmem>>) target_semaphore(%arg7 : memref<!tpu.dma_semaphore, #tpu.memory_space<semaphore_mem>>)
    %dma_start3A_175 = tpu.memref_slice %arg2[%select_n3A_20] : memref<262144xi32, #tpu.memory_space<hbm>> -> memref<512xi32, #tpu.memory_space<hbm>>
    %dma_start3A_176 = tpu.memref_slice %arg2[%select_n3A_20] : memref<262144xi32, #tpu.memory_space<hbm>> -> memref<512xi32, #tpu.memory_space<hbm>>
    tpu.enqueue_dma source(%dma_start3A_176 : memref<512xi32, #tpu.memory_space<hbm>>) target(%arg6 : memref<512xi32, #tpu.memory_space<vmem>>) target_semaphore(%arg8 : memref<!tpu.dma_semaphore, #tpu.memory_space<semaphore_mem>>)
    %dma_wait3A = tpu.memref_slice %arg2[%select_n3A] : memref<262144xi32, #tpu.memory_space<hbm>> -> memref<512xi32, #tpu.memory_space<hbm>>
    %dma_wait3A_177 = tpu.memref_slice %arg2[%select_n3A] : memref<262144xi32, #tpu.memory_space<hbm>> -> memref<512xi32, #tpu.memory_space<hbm>>
    tpu.wait_dma2 semaphore(%arg7 : memref<!tpu.dma_semaphore, #tpu.memory_space<semaphore_mem>>) src(%dma_wait3A_177 : memref<512xi32, #tpu.memory_space<hbm>>) dst(%arg5 : memref<512xi32, #tpu.memory_space<vmem>>)
    %dma_start3A_178 = tpu.memref_slice %arg4[%select_n3A] : memref<262144xi32, #tpu.memory_space<hbm>> -> memref<512xi32, #tpu.memory_space<hbm>>
    %dma_start3A_179 = tpu.memref_slice %arg4[%select_n3A] : memref<262144xi32, #tpu.memory_space<hbm>> -> memref<512xi32, #tpu.memory_space<hbm>>
    tpu.enqueue_dma source(%arg5 : memref<512xi32, #tpu.memory_space<vmem>>) target(%dma_start3A_179 : memref<512xi32, #tpu.memory_space<hbm>>) target_semaphore(%arg9 : memref<!tpu.dma_semaphore, #tpu.memory_space<semaphore_mem>>)
    %dma_wait3A_180 = tpu.memref_slice %arg4[%select_n3A] : memref<262144xi32, #tpu.memory_space<hbm>> -> memref<512xi32, #tpu.memory_space<hbm>>
    %dma_wait3A_181 = tpu.memref_slice %arg4[%select_n3A] : memref<262144xi32, #tpu.memory_space<hbm>> -> memref<512xi32, #tpu.memory_space<hbm>>
    tpu.wait_dma2 semaphore(%arg9 : memref<!tpu.dma_semaphore, #tpu.memory_space<semaphore_mem>>) src(%arg5 : memref<512xi32, #tpu.memory_space<vmem>>) dst(%dma_wait3A_181 : memref<512xi32, #tpu.memory_space<hbm>>)
    %dma_start3A_182 = tpu.memref_slice %arg2[%select_n3A_31] : memref<262144xi32, #tpu.memory_space<hbm>> -> memref<512xi32, #tpu.memory_space<hbm>>
    %dma_start3A_183 = tpu.memref_slice %arg2[%select_n3A_31] : memref<262144xi32, #tpu.memory_space<hbm>> -> memref<512xi32, #tpu.memory_space<hbm>>
    tpu.enqueue_dma source(%dma_start3A_183 : memref<512xi32, #tpu.memory_space<hbm>>) target(%arg5 : memref<512xi32, #tpu.memory_space<vmem>>) target_semaphore(%arg7 : memref<!tpu.dma_semaphore, #tpu.memory_space<semaphore_mem>>)
    %dma_wait3A_184 = tpu.memref_slice %arg2[%select_n3A_20] : memref<262144xi32, #tpu.memory_space<hbm>> -> memref<512xi32, #tpu.memory_space<hbm>>
    %dma_wait3A_185 = tpu.memref_slice %arg2[%select_n3A_20] : memref<262144xi32, #tpu.memory_space<hbm>> -> memref<512xi32, #tpu.memory_space<hbm>>
    tpu.wait_dma2 semaphore(%arg8 : memref<!tpu.dma_semaphore, #tpu.memory_space<semaphore_mem>>) src(%dma_wait3A_185 : memref<512xi32, #tpu.memory_space<hbm>>) dst(%arg6 : memref<512xi32, #tpu.memory_space<vmem>>)
    %dma_start3A_186 = tpu.memref_slice %arg4[%select_n3A_20] : memref<262144xi32, #tpu.memory_space<hbm>> -> memref<512xi32, #tpu.memory_space<hbm>>
    %dma_start3A_187 = tpu.memref_slice %arg4[%select_n3A_20] : memref<262144xi32, #tpu.memory_space<hbm>> -> memref<512xi32, #tpu.memory_space<hbm>>
    tpu.enqueue_dma source(%arg6 : memref<512xi32, #tpu.memory_space<vmem>>) target(%dma_start3A_187 : memref<512xi32, #tpu.memory_space<hbm>>) target_semaphore(%arg10 : memref<!tpu.dma_semaphore, #tpu.memory_space<semaphore_mem>>)
    %dma_wait3A_188 = tpu.memref_slice %arg4[%select_n3A_20] : memref<262144xi32, #tpu.memory_space<hbm>> -> memref<512xi32, #tpu.memory_space<hbm>>
    %dma_wait3A_189 = tpu.memref_slice %arg4[%select_n3A_20] : memref<262144xi32, #tpu.memory_space<hbm>> -> memref<512xi32, #tpu.memory_space<hbm>>
    tpu.wait_dma2 semaphore(%arg10 : memref<!tpu.dma_semaphore, #tpu.memory_space<semaphore_mem>>) src(%arg6 : memref<512xi32, #tpu.memory_space<vmem>>) dst(%dma_wait3A_189 : memref<512xi32, #tpu.memory_space<hbm>>)
    %dma_start3A_190 = tpu.memref_slice %arg2[%select_n3A_42] : memref<262144xi32, #tpu.memory_space<hbm>> -> memref<512xi32, #tpu.memory_space<hbm>>
    %dma_start3A_191 = tpu.memref_slice %arg2[%select_n3A_42] : memref<262144xi32, #tpu.memory_space<hbm>> -> memref<512xi32, #tpu.memory_space<hbm>>
    tpu.enqueue_dma source(%dma_start3A_191 : memref<512xi32, #tpu.memory_space<hbm>>) target(%arg6 : memref<512xi32, #tpu.memory_space<vmem>>) target_semaphore(%arg8 : memref<!tpu.dma_semaphore, #tpu.memory_space<semaphore_mem>>)
    %dma_wait3A_192 = tpu.memref_slice %arg2[%select_n3A_31] : memref<262144xi32, #tpu.memory_space<hbm>> -> memref<512xi32, #tpu.memory_space<hbm>>
    %dma_wait3A_193 = tpu.memref_slice %arg2[%select_n3A_31] : memref<262144xi32, #tpu.memory_space<hbm>> -> memref<512xi32, #tpu.memory_space<hbm>>
    tpu.wait_dma2 semaphore(%arg7 : memref<!tpu.dma_semaphore, #tpu.memory_space<semaphore_mem>>) src(%dma_wait3A_193 : memref<512xi32, #tpu.memory_space<hbm>>) dst(%arg5 : memref<512xi32, #tpu.memory_space<vmem>>)
    %dma_start3A_194 = tpu.memref_slice %arg4[%select_n3A_31] : memref<262144xi32, #tpu.memory_space<hbm>> -> memref<512xi32, #tpu.memory_space<hbm>>
    %dma_start3A_195 = tpu.memref_slice %arg4[%select_n3A_31] : memref<262144xi32, #tpu.memory_space<hbm>> -> memref<512xi32, #tpu.memory_space<hbm>>
    tpu.enqueue_dma source(%arg5 : memref<512xi32, #tpu.memory_space<vmem>>) target(%dma_start3A_195 : memref<512xi32, #tpu.memory_space<hbm>>) target_semaphore(%arg9 : memref<!tpu.dma_semaphore, #tpu.memory_space<semaphore_mem>>)
    %dma_wait3A_196 = tpu.memref_slice %arg4[%select_n3A_31] : memref<262144xi32, #tpu.memory_space<hbm>> -> memref<512xi32, #tpu.memory_space<hbm>>
    %dma_wait3A_197 = tpu.memref_slice %arg4[%select_n3A_31] : memref<262144xi32, #tpu.memory_space<hbm>> -> memref<512xi32, #tpu.memory_space<hbm>>
    tpu.wait_dma2 semaphore(%arg9 : memref<!tpu.dma_semaphore, #tpu.memory_space<semaphore_mem>>) src(%arg5 : memref<512xi32, #tpu.memory_space<vmem>>) dst(%dma_wait3A_197 : memref<512xi32, #tpu.memory_space<hbm>>)
    %dma_start3A_198 = tpu.memref_slice %arg2[%select_n3A_53] : memref<262144xi32, #tpu.memory_space<hbm>> -> memref<512xi32, #tpu.memory_space<hbm>>
    %dma_start3A_199 = tpu.memref_slice %arg2[%select_n3A_53] : memref<262144xi32, #tpu.memory_space<hbm>> -> memref<512xi32, #tpu.memory_space<hbm>>
    tpu.enqueue_dma source(%dma_start3A_199 : memref<512xi32, #tpu.memory_space<hbm>>) target(%arg5 : memref<512xi32, #tpu.memory_space<vmem>>) target_semaphore(%arg7 : memref<!tpu.dma_semaphore, #tpu.memory_space<semaphore_mem>>)
    %dma_wait3A_200 = tpu.memref_slice %arg2[%select_n3A_42] : memref<262144xi32, #tpu.memory_space<hbm>> -> memref<512xi32, #tpu.memory_space<hbm>>
    %dma_wait3A_201 = tpu.memref_slice %arg2[%select_n3A_42] : memref<262144xi32, #tpu.memory_space<hbm>> -> memref<512xi32, #tpu.memory_space<hbm>>
    tpu.wait_dma2 semaphore(%arg8 : memref<!tpu.dma_semaphore, #tpu.memory_space<semaphore_mem>>) src(%dma_wait3A_201 : memref<512xi32, #tpu.memory_space<hbm>>) dst(%arg6 : memref<512xi32, #tpu.memory_space<vmem>>)
    %dma_start3A_202 = tpu.memref_slice %arg4[%select_n3A_42] : memref<262144xi32, #tpu.memory_space<hbm>> -> memref<512xi32, #tpu.memory_space<hbm>>
    %dma_start3A_203 = tpu.memref_slice %arg4[%select_n3A_42] : memref<262144xi32, #tpu.memory_space<hbm>> -> memref<512xi32, #tpu.memory_space<hbm>>
    tpu.enqueue_dma source(%arg6 : memref<512xi32, #tpu.memory_space<vmem>>) target(%dma_start3A_203 : memref<512xi32, #tpu.memory_space<hbm>>) target_semaphore(%arg10 : memref<!tpu.dma_semaphore, #tpu.memory_space<semaphore_mem>>)
    %dma_wait3A_204 = tpu.memref_slice %arg4[%select_n3A_42] : memref<262144xi32, #tpu.memory_space<hbm>> -> memref<512xi32, #tpu.memory_space<hbm>>
    %dma_wait3A_205 = tpu.memref_slice %arg4[%select_n3A_42] : memref<262144xi32, #tpu.memory_space<hbm>> -> memref<512xi32, #tpu.memory_space<hbm>>
    tpu.wait_dma2 semaphore(%arg10 : memref<!tpu.dma_semaphore, #tpu.memory_space<semaphore_mem>>) src(%arg6 : memref<512xi32, #tpu.memory_space<vmem>>) dst(%dma_wait3A_205 : memref<512xi32, #tpu.memory_space<hbm>>)
    %dma_start3A_206 = tpu.memref_slice %arg2[%select_n3A_64] : memref<262144xi32, #tpu.memory_space<hbm>> -> memref<512xi32, #tpu.memory_space<hbm>>
    %dma_start3A_207 = tpu.memref_slice %arg2[%select_n3A_64] : memref<262144xi32, #tpu.memory_space<hbm>> -> memref<512xi32, #tpu.memory_space<hbm>>
    tpu.enqueue_dma source(%dma_start3A_207 : memref<512xi32, #tpu.memory_space<hbm>>) target(%arg6 : memref<512xi32, #tpu.memory_space<vmem>>) target_semaphore(%arg8 : memref<!tpu.dma_semaphore, #tpu.memory_space<semaphore_mem>>)
    %dma_wait3A_208 = tpu.memref_slice %arg2[%select_n3A_53] : memref<262144xi32, #tpu.memory_space<hbm>> -> memref<512xi32, #tpu.memory_space<hbm>>
    %dma_wait3A_209 = tpu.memref_slice %arg2[%select_n3A_53] : memref<262144xi32, #tpu.memory_space<hbm>> -> memref<512xi32, #tpu.memory_space<hbm>>
    tpu.wait_dma2 semaphore(%arg7 : memref<!tpu.dma_semaphore, #tpu.memory_space<semaphore_mem>>) src(%dma_wait3A_209 : memref<512xi32, #tpu.memory_space<hbm>>) dst(%arg5 : memref<512xi32, #tpu.memory_space<vmem>>)
    %dma_start3A_210 = tpu.memref_slice %arg4[%select_n3A_53] : memref<262144xi32, #tpu.memory_space<hbm>> -> memref<512xi32, #tpu.memory_space<hbm>>
    %dma_start3A_211 = tpu.memref_slice %arg4[%select_n3A_53] : memref<262144xi32, #tpu.memory_space<hbm>> -> memref<512xi32, #tpu.memory_space<hbm>>
    tpu.enqueue_dma source(%arg5 : memref<512xi32, #tpu.memory_space<vmem>>) target(%dma_start3A_211 : memref<512xi32, #tpu.memory_space<hbm>>) target_semaphore(%arg9 : memref<!tpu.dma_semaphore, #tpu.memory_space<semaphore_mem>>)
    %dma_wait3A_212 = tpu.memref_slice %arg4[%select_n3A_53] : memref<262144xi32, #tpu.memory_space<hbm>> -> memref<512xi32, #tpu.memory_space<hbm>>
    %dma_wait3A_213 = tpu.memref_slice %arg4[%select_n3A_53] : memref<262144xi32, #tpu.memory_space<hbm>> -> memref<512xi32, #tpu.memory_space<hbm>>
    tpu.wait_dma2 semaphore(%arg9 : memref<!tpu.dma_semaphore, #tpu.memory_space<semaphore_mem>>) src(%arg5 : memref<512xi32, #tpu.memory_space<vmem>>) dst(%dma_wait3A_213 : memref<512xi32, #tpu.memory_space<hbm>>)
    %dma_start3A_214 = tpu.memref_slice %arg2[%select_n3A_75] : memref<262144xi32, #tpu.memory_space<hbm>> -> memref<512xi32, #tpu.memory_space<hbm>>
    %dma_start3A_215 = tpu.memref_slice %arg2[%select_n3A_75] : memref<262144xi32, #tpu.memory_space<hbm>> -> memref<512xi32, #tpu.memory_space<hbm>>
    tpu.enqueue_dma source(%dma_start3A_215 : memref<512xi32, #tpu.memory_space<hbm>>) target(%arg5 : memref<512xi32, #tpu.memory_space<vmem>>) target_semaphore(%arg7 : memref<!tpu.dma_semaphore, #tpu.memory_space<semaphore_mem>>)
    %dma_wait3A_216 = tpu.memref_slice %arg2[%select_n3A_64] : memref<262144xi32, #tpu.memory_space<hbm>> -> memref<512xi32, #tpu.memory_space<hbm>>
    %dma_wait3A_217 = tpu.memref_slice %arg2[%select_n3A_64] : memref<262144xi32, #tpu.memory_space<hbm>> -> memref<512xi32, #tpu.memory_space<hbm>>
    tpu.wait_dma2 semaphore(%arg8 : memref<!tpu.dma_semaphore, #tpu.memory_space<semaphore_mem>>) src(%dma_wait3A_217 : memref<512xi32, #tpu.memory_space<hbm>>) dst(%arg6 : memref<512xi32, #tpu.memory_space<vmem>>)
    %dma_start3A_218 = tpu.memref_slice %arg4[%select_n3A_64] : memref<262144xi32, #tpu.memory_space<hbm>> -> memref<512xi32, #tpu.memory_space<hbm>>
    %dma_start3A_219 = tpu.memref_slice %arg4[%select_n3A_64] : memref<262144xi32, #tpu.memory_space<hbm>> -> memref<512xi32, #tpu.memory_space<hbm>>
    tpu.enqueue_dma source(%arg6 : memref<512xi32, #tpu.memory_space<vmem>>) target(%dma_start3A_219 : memref<512xi32, #tpu.memory_space<hbm>>) target_semaphore(%arg10 : memref<!tpu.dma_semaphore, #tpu.memory_space<semaphore_mem>>)
    %dma_wait3A_220 = tpu.memref_slice %arg4[%select_n3A_64] : memref<262144xi32, #tpu.memory_space<hbm>> -> memref<512xi32, #tpu.memory_space<hbm>>
    %dma_wait3A_221 = tpu.memref_slice %arg4[%select_n3A_64] : memref<262144xi32, #tpu.memory_space<hbm>> -> memref<512xi32, #tpu.memory_space<hbm>>
    tpu.wait_dma2 semaphore(%arg10 : memref<!tpu.dma_semaphore, #tpu.memory_space<semaphore_mem>>) src(%arg6 : memref<512xi32, #tpu.memory_space<vmem>>) dst(%dma_wait3A_221 : memref<512xi32, #tpu.memory_space<hbm>>)
    %dma_start3A_222 = tpu.memref_slice %arg2[%select_n3A_86] : memref<262144xi32, #tpu.memory_space<hbm>> -> memref<512xi32, #tpu.memory_space<hbm>>
    %dma_start3A_223 = tpu.memref_slice %arg2[%select_n3A_86] : memref<262144xi32, #tpu.memory_space<hbm>> -> memref<512xi32, #tpu.memory_space<hbm>>
    tpu.enqueue_dma source(%dma_start3A_223 : memref<512xi32, #tpu.memory_space<hbm>>) target(%arg6 : memref<512xi32, #tpu.memory_space<vmem>>) target_semaphore(%arg8 : memref<!tpu.dma_semaphore, #tpu.memory_space<semaphore_mem>>)
    %dma_wait3A_224 = tpu.memref_slice %arg2[%select_n3A_75] : memref<262144xi32, #tpu.memory_space<hbm>> -> memref<512xi32, #tpu.memory_space<hbm>>
    %dma_wait3A_225 = tpu.memref_slice %arg2[%select_n3A_75] : memref<262144xi32, #tpu.memory_space<hbm>> -> memref<512xi32, #tpu.memory_space<hbm>>
    tpu.wait_dma2 semaphore(%arg7 : memref<!tpu.dma_semaphore, #tpu.memory_space<semaphore_mem>>) src(%dma_wait3A_225 : memref<512xi32, #tpu.memory_space<hbm>>) dst(%arg5 : memref<512xi32, #tpu.memory_space<vmem>>)
    %dma_start3A_226 = tpu.memref_slice %arg4[%select_n3A_75] : memref<262144xi32, #tpu.memory_space<hbm>> -> memref<512xi32, #tpu.memory_space<hbm>>
    %dma_start3A_227 = tpu.memref_slice %arg4[%select_n3A_75] : memref<262144xi32, #tpu.memory_space<hbm>> -> memref<512xi32, #tpu.memory_space<hbm>>
    tpu.enqueue_dma source(%arg5 : memref<512xi32, #tpu.memory_space<vmem>>) target(%dma_start3A_227 : memref<512xi32, #tpu.memory_space<hbm>>) target_semaphore(%arg9 : memref<!tpu.dma_semaphore, #tpu.memory_space<semaphore_mem>>)
    %dma_wait3A_228 = tpu.memref_slice %arg4[%select_n3A_75] : memref<262144xi32, #tpu.memory_space<hbm>> -> memref<512xi32, #tpu.memory_space<hbm>>
    %dma_wait3A_229 = tpu.memref_slice %arg4[%select_n3A_75] : memref<262144xi32, #tpu.memory_space<hbm>> -> memref<512xi32, #tpu.memory_space<hbm>>
    tpu.wait_dma2 semaphore(%arg9 : memref<!tpu.dma_semaphore, #tpu.memory_space<semaphore_mem>>) src(%arg5 : memref<512xi32, #tpu.memory_space<vmem>>) dst(%dma_wait3A_229 : memref<512xi32, #tpu.memory_space<hbm>>)
    %dma_start3A_230 = tpu.memref_slice %arg2[%select_n3A_97] : memref<262144xi32, #tpu.memory_space<hbm>> -> memref<512xi32, #tpu.memory_space<hbm>>
    %dma_start3A_231 = tpu.memref_slice %arg2[%select_n3A_97] : memref<262144xi32, #tpu.memory_space<hbm>> -> memref<512xi32, #tpu.memory_space<hbm>>
    tpu.enqueue_dma source(%dma_start3A_231 : memref<512xi32, #tpu.memory_space<hbm>>) target(%arg5 : memref<512xi32, #tpu.memory_space<vmem>>) target_semaphore(%arg7 : memref<!tpu.dma_semaphore, #tpu.memory_space<semaphore_mem>>)
    %dma_wait3A_232 = tpu.memref_slice %arg2[%select_n3A_86] : memref<262144xi32, #tpu.memory_space<hbm>> -> memref<512xi32, #tpu.memory_space<hbm>>
    %dma_wait3A_233 = tpu.memref_slice %arg2[%select_n3A_86] : memref<262144xi32, #tpu.memory_space<hbm>> -> memref<512xi32, #tpu.memory_space<hbm>>
    tpu.wait_dma2 semaphore(%arg8 : memref<!tpu.dma_semaphore, #tpu.memory_space<semaphore_mem>>) src(%dma_wait3A_233 : memref<512xi32, #tpu.memory_space<hbm>>) dst(%arg6 : memref<512xi32, #tpu.memory_space<vmem>>)
    %dma_start3A_234 = tpu.memref_slice %arg4[%select_n3A_86] : memref<262144xi32, #tpu.memory_space<hbm>> -> memref<512xi32, #tpu.memory_space<hbm>>
    %dma_start3A_235 = tpu.memref_slice %arg4[%select_n3A_86] : memref<262144xi32, #tpu.memory_space<hbm>> -> memref<512xi32, #tpu.memory_space<hbm>>
    tpu.enqueue_dma source(%arg6 : memref<512xi32, #tpu.memory_space<vmem>>) target(%dma_start3A_235 : memref<512xi32, #tpu.memory_space<hbm>>) target_semaphore(%arg10 : memref<!tpu.dma_semaphore, #tpu.memory_space<semaphore_mem>>)
    %dma_wait3A_236 = tpu.memref_slice %arg4[%select_n3A_86] : memref<262144xi32, #tpu.memory_space<hbm>> -> memref<512xi32, #tpu.memory_space<hbm>>
    %dma_wait3A_237 = tpu.memref_slice %arg4[%select_n3A_86] : memref<262144xi32, #tpu.memory_space<hbm>> -> memref<512xi32, #tpu.memory_space<hbm>>
    tpu.wait_dma2 semaphore(%arg10 : memref<!tpu.dma_semaphore, #tpu.memory_space<semaphore_mem>>) src(%arg6 : memref<512xi32, #tpu.memory_space<vmem>>) dst(%dma_wait3A_237 : memref<512xi32, #tpu.memory_space<hbm>>)
    %dma_start3A_238 = tpu.memref_slice %arg2[%select_n3A_108] : memref<262144xi32, #tpu.memory_space<hbm>> -> memref<512xi32, #tpu.memory_space<hbm>>
    %dma_start3A_239 = tpu.memref_slice %arg2[%select_n3A_108] : memref<262144xi32, #tpu.memory_space<hbm>> -> memref<512xi32, #tpu.memory_space<hbm>>
    tpu.enqueue_dma source(%dma_start3A_239 : memref<512xi32, #tpu.memory_space<hbm>>) target(%arg6 : memref<512xi32, #tpu.memory_space<vmem>>) target_semaphore(%arg8 : memref<!tpu.dma_semaphore, #tpu.memory_space<semaphore_mem>>)
    %dma_wait3A_240 = tpu.memref_slice %arg2[%select_n3A_97] : memref<262144xi32, #tpu.memory_space<hbm>> -> memref<512xi32, #tpu.memory_space<hbm>>
    %dma_wait3A_241 = tpu.memref_slice %arg2[%select_n3A_97] : memref<262144xi32, #tpu.memory_space<hbm>> -> memref<512xi32, #tpu.memory_space<hbm>>
    tpu.wait_dma2 semaphore(%arg7 : memref<!tpu.dma_semaphore, #tpu.memory_space<semaphore_mem>>) src(%dma_wait3A_241 : memref<512xi32, #tpu.memory_space<hbm>>) dst(%arg5 : memref<512xi32, #tpu.memory_space<vmem>>)
    %dma_start3A_242 = tpu.memref_slice %arg4[%select_n3A_97] : memref<262144xi32, #tpu.memory_space<hbm>> -> memref<512xi32, #tpu.memory_space<hbm>>
    %dma_start3A_243 = tpu.memref_slice %arg4[%select_n3A_97] : memref<262144xi32, #tpu.memory_space<hbm>> -> memref<512xi32, #tpu.memory_space<hbm>>
    tpu.enqueue_dma source(%arg5 : memref<512xi32, #tpu.memory_space<vmem>>) target(%dma_start3A_243 : memref<512xi32, #tpu.memory_space<hbm>>) target_semaphore(%arg9 : memref<!tpu.dma_semaphore, #tpu.memory_space<semaphore_mem>>)
    %dma_wait3A_244 = tpu.memref_slice %arg4[%select_n3A_97] : memref<262144xi32, #tpu.memory_space<hbm>> -> memref<512xi32, #tpu.memory_space<hbm>>
    %dma_wait3A_245 = tpu.memref_slice %arg4[%select_n3A_97] : memref<262144xi32, #tpu.memory_space<hbm>> -> memref<512xi32, #tpu.memory_space<hbm>>
    tpu.wait_dma2 semaphore(%arg9 : memref<!tpu.dma_semaphore, #tpu.memory_space<semaphore_mem>>) src(%arg5 : memref<512xi32, #tpu.memory_space<vmem>>) dst(%dma_wait3A_245 : memref<512xi32, #tpu.memory_space<hbm>>)
    %dma_start3A_246 = tpu.memref_slice %arg2[%select_n3A_119] : memref<262144xi32, #tpu.memory_space<hbm>> -> memref<512xi32, #tpu.memory_space<hbm>>
    %dma_start3A_247 = tpu.memref_slice %arg2[%select_n3A_119] : memref<262144xi32, #tpu.memory_space<hbm>> -> memref<512xi32, #tpu.memory_space<hbm>>
    tpu.enqueue_dma source(%dma_start3A_247 : memref<512xi32, #tpu.memory_space<hbm>>) target(%arg5 : memref<512xi32, #tpu.memory_space<vmem>>) target_semaphore(%arg7 : memref<!tpu.dma_semaphore, #tpu.memory_space<semaphore_mem>>)
    %dma_wait3A_248 = tpu.memref_slice %arg2[%select_n3A_108] : memref<262144xi32, #tpu.memory_space<hbm>> -> memref<512xi32, #tpu.memory_space<hbm>>
    %dma_wait3A_249 = tpu.memref_slice %arg2[%select_n3A_108] : memref<262144xi32, #tpu.memory_space<hbm>> -> memref<512xi32, #tpu.memory_space<hbm>>
    tpu.wait_dma2 semaphore(%arg8 : memref<!tpu.dma_semaphore, #tpu.memory_space<semaphore_mem>>) src(%dma_wait3A_249 : memref<512xi32, #tpu.memory_space<hbm>>) dst(%arg6 : memref<512xi32, #tpu.memory_space<vmem>>)
    %dma_start3A_250 = tpu.memref_slice %arg4[%select_n3A_108] : memref<262144xi32, #tpu.memory_space<hbm>> -> memref<512xi32, #tpu.memory_space<hbm>>
    %dma_start3A_251 = tpu.memref_slice %arg4[%select_n3A_108] : memref<262144xi32, #tpu.memory_space<hbm>> -> memref<512xi32, #tpu.memory_space<hbm>>
    tpu.enqueue_dma source(%arg6 : memref<512xi32, #tpu.memory_space<vmem>>) target(%dma_start3A_251 : memref<512xi32, #tpu.memory_space<hbm>>) target_semaphore(%arg10 : memref<!tpu.dma_semaphore, #tpu.memory_space<semaphore_mem>>)
    %dma_wait3A_252 = tpu.memref_slice %arg4[%select_n3A_108] : memref<262144xi32, #tpu.memory_space<hbm>> -> memref<512xi32, #tpu.memory_space<hbm>>
    %dma_wait3A_253 = tpu.memref_slice %arg4[%select_n3A_108] : memref<262144xi32, #tpu.memory_space<hbm>> -> memref<512xi32, #tpu.memory_space<hbm>>
    tpu.wait_dma2 semaphore(%arg10 : memref<!tpu.dma_semaphore, #tpu.memory_space<semaphore_mem>>) src(%arg6 : memref<512xi32, #tpu.memory_space<vmem>>) dst(%dma_wait3A_253 : memref<512xi32, #tpu.memory_space<hbm>>)
    %dma_start3A_254 = tpu.memref_slice %arg2[%select_n3A_130] : memref<262144xi32, #tpu.memory_space<hbm>> -> memref<512xi32, #tpu.memory_space<hbm>>
    %dma_start3A_255 = tpu.memref_slice %arg2[%select_n3A_130] : memref<262144xi32, #tpu.memory_space<hbm>> -> memref<512xi32, #tpu.memory_space<hbm>>
    tpu.enqueue_dma source(%dma_start3A_255 : memref<512xi32, #tpu.memory_space<hbm>>) target(%arg6 : memref<512xi32, #tpu.memory_space<vmem>>) target_semaphore(%arg8 : memref<!tpu.dma_semaphore, #tpu.memory_space<semaphore_mem>>)
    %dma_wait3A_256 = tpu.memref_slice %arg2[%select_n3A_119] : memref<262144xi32, #tpu.memory_space<hbm>> -> memref<512xi32, #tpu.memory_space<hbm>>
    %dma_wait3A_257 = tpu.memref_slice %arg2[%select_n3A_119] : memref<262144xi32, #tpu.memory_space<hbm>> -> memref<512xi32, #tpu.memory_space<hbm>>
    tpu.wait_dma2 semaphore(%arg7 : memref<!tpu.dma_semaphore, #tpu.memory_space<semaphore_mem>>) src(%dma_wait3A_257 : memref<512xi32, #tpu.memory_space<hbm>>) dst(%arg5 : memref<512xi32, #tpu.memory_space<vmem>>)
    %dma_start3A_258 = tpu.memref_slice %arg4[%select_n3A_119] : memref<262144xi32, #tpu.memory_space<hbm>> -> memref<512xi32, #tpu.memory_space<hbm>>
    %dma_start3A_259 = tpu.memref_slice %arg4[%select_n3A_119] : memref<262144xi32, #tpu.memory_space<hbm>> -> memref<512xi32, #tpu.memory_space<hbm>>
    tpu.enqueue_dma source(%arg5 : memref<512xi32, #tpu.memory_space<vmem>>) target(%dma_start3A_259 : memref<512xi32, #tpu.memory_space<hbm>>) target_semaphore(%arg9 : memref<!tpu.dma_semaphore, #tpu.memory_space<semaphore_mem>>)
    %dma_wait3A_260 = tpu.memref_slice %arg4[%select_n3A_119] : memref<262144xi32, #tpu.memory_space<hbm>> -> memref<512xi32, #tpu.memory_space<hbm>>
    %dma_wait3A_261 = tpu.memref_slice %arg4[%select_n3A_119] : memref<262144xi32, #tpu.memory_space<hbm>> -> memref<512xi32, #tpu.memory_space<hbm>>
    tpu.wait_dma2 semaphore(%arg9 : memref<!tpu.dma_semaphore, #tpu.memory_space<semaphore_mem>>) src(%arg5 : memref<512xi32, #tpu.memory_space<vmem>>) dst(%dma_wait3A_261 : memref<512xi32, #tpu.memory_space<hbm>>)
    %dma_start3A_262 = tpu.memref_slice %arg2[%select_n3A_141] : memref<262144xi32, #tpu.memory_space<hbm>> -> memref<512xi32, #tpu.memory_space<hbm>>
    %dma_start3A_263 = tpu.memref_slice %arg2[%select_n3A_141] : memref<262144xi32, #tpu.memory_space<hbm>> -> memref<512xi32, #tpu.memory_space<hbm>>
    tpu.enqueue_dma source(%dma_start3A_263 : memref<512xi32, #tpu.memory_space<hbm>>) target(%arg5 : memref<512xi32, #tpu.memory_space<vmem>>) target_semaphore(%arg7 : memref<!tpu.dma_semaphore, #tpu.memory_space<semaphore_mem>>)
    %dma_wait3A_264 = tpu.memref_slice %arg2[%select_n3A_130] : memref<262144xi32, #tpu.memory_space<hbm>> -> memref<512xi32, #tpu.memory_space<hbm>>
    %dma_wait3A_265 = tpu.memref_slice %arg2[%select_n3A_130] : memref<262144xi32, #tpu.memory_space<hbm>> -> memref<512xi32, #tpu.memory_space<hbm>>
    tpu.wait_dma2 semaphore(%arg8 : memref<!tpu.dma_semaphore, #tpu.memory_space<semaphore_mem>>) src(%dma_wait3A_265 : memref<512xi32, #tpu.memory_space<hbm>>) dst(%arg6 : memref<512xi32, #tpu.memory_space<vmem>>)
    %dma_start3A_266 = tpu.memref_slice %arg4[%select_n3A_130] : memref<262144xi32, #tpu.memory_space<hbm>> -> memref<512xi32, #tpu.memory_space<hbm>>
    %dma_start3A_267 = tpu.memref_slice %arg4[%select_n3A_130] : memref<262144xi32, #tpu.memory_space<hbm>> -> memref<512xi32, #tpu.memory_space<hbm>>
    tpu.enqueue_dma source(%arg6 : memref<512xi32, #tpu.memory_space<vmem>>) target(%dma_start3A_267 : memref<512xi32, #tpu.memory_space<hbm>>) target_semaphore(%arg10 : memref<!tpu.dma_semaphore, #tpu.memory_space<semaphore_mem>>)
    %dma_wait3A_268 = tpu.memref_slice %arg4[%select_n3A_130] : memref<262144xi32, #tpu.memory_space<hbm>> -> memref<512xi32, #tpu.memory_space<hbm>>
    %dma_wait3A_269 = tpu.memref_slice %arg4[%select_n3A_130] : memref<262144xi32, #tpu.memory_space<hbm>> -> memref<512xi32, #tpu.memory_space<hbm>>
    tpu.wait_dma2 semaphore(%arg10 : memref<!tpu.dma_semaphore, #tpu.memory_space<semaphore_mem>>) src(%arg6 : memref<512xi32, #tpu.memory_space<vmem>>) dst(%dma_wait3A_269 : memref<512xi32, #tpu.memory_space<hbm>>)
    %dma_start3A_270 = tpu.memref_slice %arg2[%select_n3A_152] : memref<262144xi32, #tpu.memory_space<hbm>> -> memref<512xi32, #tpu.memory_space<hbm>>
    %dma_start3A_271 = tpu.memref_slice %arg2[%select_n3A_152] : memref<262144xi32, #tpu.memory_space<hbm>> -> memref<512xi32, #tpu.memory_space<hbm>>
    tpu.enqueue_dma source(%dma_start3A_271 : memref<512xi32, #tpu.memory_space<hbm>>) target(%arg6 : memref<512xi32, #tpu.memory_space<vmem>>) target_semaphore(%arg8 : memref<!tpu.dma_semaphore, #tpu.memory_space<semaphore_mem>>)
    %dma_wait3A_272 = tpu.memref_slice %arg2[%select_n3A_141] : memref<262144xi32, #tpu.memory_space<hbm>> -> memref<512xi32, #tpu.memory_space<hbm>>
    %dma_wait3A_273 = tpu.memref_slice %arg2[%select_n3A_141] : memref<262144xi32, #tpu.memory_space<hbm>> -> memref<512xi32, #tpu.memory_space<hbm>>
    tpu.wait_dma2 semaphore(%arg7 : memref<!tpu.dma_semaphore, #tpu.memory_space<semaphore_mem>>) src(%dma_wait3A_273 : memref<512xi32, #tpu.memory_space<hbm>>) dst(%arg5 : memref<512xi32, #tpu.memory_space<vmem>>)
    %dma_start3A_274 = tpu.memref_slice %arg4[%select_n3A_141] : memref<262144xi32, #tpu.memory_space<hbm>> -> memref<512xi32, #tpu.memory_space<hbm>>
    %dma_start3A_275 = tpu.memref_slice %arg4[%select_n3A_141] : memref<262144xi32, #tpu.memory_space<hbm>> -> memref<512xi32, #tpu.memory_space<hbm>>
    tpu.enqueue_dma source(%arg5 : memref<512xi32, #tpu.memory_space<vmem>>) target(%dma_start3A_275 : memref<512xi32, #tpu.memory_space<hbm>>) target_semaphore(%arg9 : memref<!tpu.dma_semaphore, #tpu.memory_space<semaphore_mem>>)
    %dma_wait3A_276 = tpu.memref_slice %arg4[%select_n3A_141] : memref<262144xi32, #tpu.memory_space<hbm>> -> memref<512xi32, #tpu.memory_space<hbm>>
    %dma_wait3A_277 = tpu.memref_slice %arg4[%select_n3A_141] : memref<262144xi32, #tpu.memory_space<hbm>> -> memref<512xi32, #tpu.memory_space<hbm>>
    tpu.wait_dma2 semaphore(%arg9 : memref<!tpu.dma_semaphore, #tpu.memory_space<semaphore_mem>>) src(%arg5 : memref<512xi32, #tpu.memory_space<vmem>>) dst(%dma_wait3A_277 : memref<512xi32, #tpu.memory_space<hbm>>)
    %dma_start3A_278 = tpu.memref_slice %arg2[%select_n3A_163] : memref<262144xi32, #tpu.memory_space<hbm>> -> memref<512xi32, #tpu.memory_space<hbm>>
    %dma_start3A_279 = tpu.memref_slice %arg2[%select_n3A_163] : memref<262144xi32, #tpu.memory_space<hbm>> -> memref<512xi32, #tpu.memory_space<hbm>>
    tpu.enqueue_dma source(%dma_start3A_279 : memref<512xi32, #tpu.memory_space<hbm>>) target(%arg5 : memref<512xi32, #tpu.memory_space<vmem>>) target_semaphore(%arg7 : memref<!tpu.dma_semaphore, #tpu.memory_space<semaphore_mem>>)
    %dma_wait3A_280 = tpu.memref_slice %arg2[%select_n3A_152] : memref<262144xi32, #tpu.memory_space<hbm>> -> memref<512xi32, #tpu.memory_space<hbm>>
    %dma_wait3A_281 = tpu.memref_slice %arg2[%select_n3A_152] : memref<262144xi32, #tpu.memory_space<hbm>> -> memref<512xi32, #tpu.memory_space<hbm>>
    tpu.wait_dma2 semaphore(%arg8 : memref<!tpu.dma_semaphore, #tpu.memory_space<semaphore_mem>>) src(%dma_wait3A_281 : memref<512xi32, #tpu.memory_space<hbm>>) dst(%arg6 : memref<512xi32, #tpu.memory_space<vmem>>)
    %dma_start3A_282 = tpu.memref_slice %arg4[%select_n3A_152] : memref<262144xi32, #tpu.memory_space<hbm>> -> memref<512xi32, #tpu.memory_space<hbm>>
    %dma_start3A_283 = tpu.memref_slice %arg4[%select_n3A_152] : memref<262144xi32, #tpu.memory_space<hbm>> -> memref<512xi32, #tpu.memory_space<hbm>>
    tpu.enqueue_dma source(%arg6 : memref<512xi32, #tpu.memory_space<vmem>>) target(%dma_start3A_283 : memref<512xi32, #tpu.memory_space<hbm>>) target_semaphore(%arg10 : memref<!tpu.dma_semaphore, #tpu.memory_space<semaphore_mem>>)
    %dma_wait3A_284 = tpu.memref_slice %arg4[%select_n3A_152] : memref<262144xi32, #tpu.memory_space<hbm>> -> memref<512xi32, #tpu.memory_space<hbm>>
    %dma_wait3A_285 = tpu.memref_slice %arg4[%select_n3A_152] : memref<262144xi32, #tpu.memory_space<hbm>> -> memref<512xi32, #tpu.memory_space<hbm>>
    tpu.wait_dma2 semaphore(%arg10 : memref<!tpu.dma_semaphore, #tpu.memory_space<semaphore_mem>>) src(%arg6 : memref<512xi32, #tpu.memory_space<vmem>>) dst(%dma_wait3A_285 : memref<512xi32, #tpu.memory_space<hbm>>)
    %dma_start3A_286 = tpu.memref_slice %arg3[%mul3A_169] : memref<16384xi32, #tpu.memory_space<hbm>> -> memref<512xi32, #tpu.memory_space<hbm>>
    %dma_start3A_287 = tpu.memref_slice %arg3[%mul3A_169] : memref<16384xi32, #tpu.memory_space<hbm>> -> memref<512xi32, #tpu.memory_space<hbm>>
    tpu.enqueue_dma source(%dma_start3A_287 : memref<512xi32, #tpu.memory_space<hbm>>) target(%arg6 : memref<512xi32, #tpu.memory_space<vmem>>) target_semaphore(%arg8 : memref<!tpu.dma_semaphore, #tpu.memory_space<semaphore_mem>>)
    %dma_wait3A_288 = tpu.memref_slice %arg2[%select_n3A_163] : memref<262144xi32, #tpu.memory_space<hbm>> -> memref<512xi32, #tpu.memory_space<hbm>>
    %dma_wait3A_289 = tpu.memref_slice %arg2[%select_n3A_163] : memref<262144xi32, #tpu.memory_space<hbm>> -> memref<512xi32, #tpu.memory_space<hbm>>
    tpu.wait_dma2 semaphore(%arg7 : memref<!tpu.dma_semaphore, #tpu.memory_space<semaphore_mem>>) src(%dma_wait3A_289 : memref<512xi32, #tpu.memory_space<hbm>>) dst(%arg5 : memref<512xi32, #tpu.memory_space<vmem>>)
    %dma_start3A_290 = tpu.memref_slice %arg4[%select_n3A_163] : memref<262144xi32, #tpu.memory_space<hbm>> -> memref<512xi32, #tpu.memory_space<hbm>>
    %dma_start3A_291 = tpu.memref_slice %arg4[%select_n3A_163] : memref<262144xi32, #tpu.memory_space<hbm>> -> memref<512xi32, #tpu.memory_space<hbm>>
    tpu.enqueue_dma source(%arg5 : memref<512xi32, #tpu.memory_space<vmem>>) target(%dma_start3A_291 : memref<512xi32, #tpu.memory_space<hbm>>) target_semaphore(%arg9 : memref<!tpu.dma_semaphore, #tpu.memory_space<semaphore_mem>>)
    %dma_wait3A_292 = tpu.memref_slice %arg3[%mul3A_169] : memref<16384xi32, #tpu.memory_space<hbm>> -> memref<512xi32, #tpu.memory_space<hbm>>
    %dma_wait3A_293 = tpu.memref_slice %arg3[%mul3A_169] : memref<16384xi32, #tpu.memory_space<hbm>> -> memref<512xi32, #tpu.memory_space<hbm>>
    tpu.wait_dma2 semaphore(%arg8 : memref<!tpu.dma_semaphore, #tpu.memory_space<semaphore_mem>>) src(%dma_wait3A_293 : memref<512xi32, #tpu.memory_space<hbm>>) dst(%arg6 : memref<512xi32, #tpu.memory_space<vmem>>)
    %dma_start3A_294 = tpu.memref_slice %arg4[%add3A_173] : memref<262144xi32, #tpu.memory_space<hbm>> -> memref<512xi32, #tpu.memory_space<hbm>>
    %dma_start3A_295 = tpu.memref_slice %arg4[%add3A_173] : memref<262144xi32, #tpu.memory_space<hbm>> -> memref<512xi32, #tpu.memory_space<hbm>>
    tpu.enqueue_dma source(%arg6 : memref<512xi32, #tpu.memory_space<vmem>>) target(%dma_start3A_295 : memref<512xi32, #tpu.memory_space<hbm>>) target_semaphore(%arg10 : memref<!tpu.dma_semaphore, #tpu.memory_space<semaphore_mem>>)
    %dma_wait3A_296 = tpu.memref_slice %arg4[%select_n3A_163] : memref<262144xi32, #tpu.memory_space<hbm>> -> memref<512xi32, #tpu.memory_space<hbm>>
    %dma_wait3A_297 = tpu.memref_slice %arg4[%select_n3A_163] : memref<262144xi32, #tpu.memory_space<hbm>> -> memref<512xi32, #tpu.memory_space<hbm>>
    tpu.wait_dma2 semaphore(%arg9 : memref<!tpu.dma_semaphore, #tpu.memory_space<semaphore_mem>>) src(%arg5 : memref<512xi32, #tpu.memory_space<vmem>>) dst(%dma_wait3A_297 : memref<512xi32, #tpu.memory_space<hbm>>)
    %dma_wait3A_298 = tpu.memref_slice %arg4[%add3A_173] : memref<262144xi32, #tpu.memory_space<hbm>> -> memref<512xi32, #tpu.memory_space<hbm>>
    %dma_wait3A_299 = tpu.memref_slice %arg4[%add3A_173] : memref<262144xi32, #tpu.memory_space<hbm>> -> memref<512xi32, #tpu.memory_space<hbm>>
    tpu.wait_dma2 semaphore(%arg10 : memref<!tpu.dma_semaphore, #tpu.memory_space<semaphore_mem>>) src(%arg6 : memref<512xi32, #tpu.memory_space<vmem>>) dst(%dma_wait3A_299 : memref<512xi32, #tpu.memory_space<hbm>>)
    return
  }
}

module attributes {stable_mosaic.version = 14 : i64} {
  func.func @_tc_body(%arg0: i32, %arg1: memref<4096x128xf32, #tpu.memory_space<vmem>>, %arg2: memref<4096x128xf32, #tpu.memory_space<vmem>>, %arg3: memref<4096x128xf32, #tpu.memory_space<vmem>>, %arg4: memref<4096x128xf32, #tpu.memory_space<vmem>>, %arg5: memref<4096x128xf32, #tpu.memory_space<vmem>>, %arg6: memref<4096x128xf32, #tpu.memory_space<vmem>>, %arg7: memref<4096x128xf32, #tpu.memory_space<vmem>>, %arg8: memref<4096x128xf32, #tpu.memory_space<vmem>>, %arg9: memref<8192x128xf32, #tpu.memory_space<vmem>>, %arg10: memref<8192x128xf32, #tpu.memory_space<vmem>>) attributes {dimension_semantics = [#tpu.dimension_semantics<arbitrary>], iteration_bounds = array<i64: 32>, scalar_prefetch = 0 : i64, scratch_operands = 0 : i64, tpu.core_type = #tpu.core_type<tc>, window_params = [{transform_indices = @transform_0, window_bounds = array<i64: 4096, 128>}, {transform_indices = @transform_1, window_bounds = array<i64: 4096, 128>}, {transform_indices = @transform_2, window_bounds = array<i64: 4096, 128>}, {transform_indices = @transform_3, window_bounds = array<i64: 4096, 128>}, {transform_indices = @transform_4, window_bounds = array<i64: 4096, 128>}, {transform_indices = @transform_5, window_bounds = array<i64: 4096, 128>}, {transform_indices = @transform_6, window_bounds = array<i64: 4096, 128>}, {transform_indices = @transform_7, window_bounds = array<i64: 4096, 128>}, {transform_indices = @transform_8, window_bounds = array<i64: 8192, 128>}, {transform_indices = @transform_9, window_bounds = array<i64: 8192, 128>}]} {
    %mul3A = arith.constant 2 : i32
    %mul3A_0 = arith.muli %arg0, %mul3A : i32
    %add3A = arith.constant 0 : i32
    %add3A_1 = arith.addi %mul3A_0, %add3A : i32
    %ge3A = arith.constant 1 : i32
    %ge3A_2 = arith.cmpi sge, %add3A_1, %ge3A : i32
    %lt3A = arith.constant 5 : i32
    %lt3A_3 = arith.cmpi slt, %add3A_1, %lt3A : i32
    %and3A = arith.andi %ge3A_2, %lt3A_3 : i1
    %convert_element_type3A = arith.extui %and3A : i1 to i32
    %cond3A = arith.constant 0 : i32
    %cond3A_4 = arith.cmpi ne, %convert_element_type3A, %cond3A : i32
    scf.if %cond3A_4 {
      %get3A = arith.constant 0 : index
      %get3A_26 = arith.constant 0 : index
      %get3A_27 = vector.load %arg3[%get3A, %get3A_26] : memref<4096x128xf32, #tpu.memory_space<vmem>>, vector<4096x128xf32>
      %swap3A = arith.constant 0 : index
      %swap3A_28 = arith.constant 0 : index
      %swap3A_29 = vector.load %arg9[%swap3A, %swap3A_28] : memref<8192x128xf32, #tpu.memory_space<vmem>>, vector<4096x128xf32>
      tpu.vector_store %arg9[%swap3A, %swap3A_28], %get3A_27 {strides = array<i32>} : memref<8192x128xf32, #tpu.memory_space<vmem>>, vector<4096x128xf32>,
      %get3A_30 = arith.constant 0 : index
      %get3A_31 = arith.constant 0 : index
      %get3A_32 = vector.load %arg7[%get3A_30, %get3A_31] : memref<4096x128xf32, #tpu.memory_space<vmem>>, vector<4096x128xf32>
      %swap3A_33 = arith.constant 0 : index
      %swap3A_34 = arith.constant 0 : index
      %swap3A_35 = vector.load %arg10[%swap3A_33, %swap3A_34] : memref<8192x128xf32, #tpu.memory_space<vmem>>, vector<4096x128xf32>
      tpu.vector_store %arg10[%swap3A_33, %swap3A_34], %get3A_32 {strides = array<i32>} : memref<8192x128xf32, #tpu.memory_space<vmem>>, vector<4096x128xf32>,
    } else {
    }
    %not3A = arith.constant true
    %not3A_5 = arith.xori %and3A, %not3A : i1
    %convert_element_type3A_6 = arith.extui %not3A_5 : i1 to i32
    %cond3A_7 = arith.constant 0 : i32
    %cond3A_8 = arith.cmpi ne, %convert_element_type3A_6, %cond3A_7 : i32
    scf.if %cond3A_8 {
      %get3A = arith.constant 0 : index
      %get3A_26 = arith.constant 0 : index
      %get3A_27 = vector.load %arg1[%get3A, %get3A_26] : memref<4096x128xf32, #tpu.memory_space<vmem>>, vector<4096x128xf32>
      %swap3A = arith.constant 0 : index
      %swap3A_28 = arith.constant 0 : index
      %swap3A_29 = vector.load %arg9[%swap3A, %swap3A_28] : memref<8192x128xf32, #tpu.memory_space<vmem>>, vector<4096x128xf32>
      tpu.vector_store %arg9[%swap3A, %swap3A_28], %get3A_27 {strides = array<i32>} : memref<8192x128xf32, #tpu.memory_space<vmem>>, vector<4096x128xf32>,
      %get3A_30 = arith.constant 0 : index
      %get3A_31 = arith.constant 0 : index
      %get3A_32 = vector.load %arg5[%get3A_30, %get3A_31] : memref<4096x128xf32, #tpu.memory_space<vmem>>, vector<4096x128xf32>
      %swap3A_33 = arith.constant 0 : index
      %swap3A_34 = arith.constant 0 : index
      %swap3A_35 = vector.load %arg10[%swap3A_33, %swap3A_34] : memref<8192x128xf32, #tpu.memory_space<vmem>>, vector<4096x128xf32>
      tpu.vector_store %arg10[%swap3A_33, %swap3A_34], %get3A_32 {strides = array<i32>} : memref<8192x128xf32, #tpu.memory_space<vmem>>, vector<4096x128xf32>,
    } else {
    }
    %mul3A_9 = arith.constant 2 : i32
    %mul3A_10 = arith.muli %arg0, %mul3A_9 : i32
    %add3A_11 = arith.constant 1 : i32
    %add3A_12 = arith.addi %mul3A_10, %add3A_11 : i32
    %ge3A_13 = arith.constant 1 : i32
    %ge3A_14 = arith.cmpi sge, %add3A_12, %ge3A_13 : i32
    %lt3A_15 = arith.constant 5 : i32
    %lt3A_16 = arith.cmpi slt, %add3A_12, %lt3A_15 : i32
    %and3A_17 = arith.andi %ge3A_14, %lt3A_16 : i1
    %convert_element_type3A_18 = arith.extui %and3A_17 : i1 to i32
    %cond3A_19 = arith.constant 0 : i32
    %cond3A_20 = arith.cmpi ne, %convert_element_type3A_18, %cond3A_19 : i32
    scf.if %cond3A_20 {
      %get3A = arith.constant 0 : index
      %get3A_26 = arith.constant 0 : index
      %get3A_27 = vector.load %arg4[%get3A, %get3A_26] : memref<4096x128xf32, #tpu.memory_space<vmem>>, vector<4096x128xf32>
      %swap3A = arith.constant 4096 : index
      %swap3A_28 = arith.constant 0 : index
      %swap3A_29 = vector.load %arg9[%swap3A, %swap3A_28] : memref<8192x128xf32, #tpu.memory_space<vmem>>, vector<4096x128xf32>
      tpu.vector_store %arg9[%swap3A, %swap3A_28], %get3A_27 {strides = array<i32>} : memref<8192x128xf32, #tpu.memory_space<vmem>>, vector<4096x128xf32>,
      %get3A_30 = arith.constant 0 : index
      %get3A_31 = arith.constant 0 : index
      %get3A_32 = vector.load %arg8[%get3A_30, %get3A_31] : memref<4096x128xf32, #tpu.memory_space<vmem>>, vector<4096x128xf32>
      %swap3A_33 = arith.constant 4096 : index
      %swap3A_34 = arith.constant 0 : index
      %swap3A_35 = vector.load %arg10[%swap3A_33, %swap3A_34] : memref<8192x128xf32, #tpu.memory_space<vmem>>, vector<4096x128xf32>
      tpu.vector_store %arg10[%swap3A_33, %swap3A_34], %get3A_32 {strides = array<i32>} : memref<8192x128xf32, #tpu.memory_space<vmem>>, vector<4096x128xf32>,
    } else {
    }
    %not3A_21 = arith.constant true
    %not3A_22 = arith.xori %and3A_17, %not3A_21 : i1
    %convert_element_type3A_23 = arith.extui %not3A_22 : i1 to i32
    %cond3A_24 = arith.constant 0 : i32
    %cond3A_25 = arith.cmpi ne, %convert_element_type3A_23, %cond3A_24 : i32
    scf.if %cond3A_25 {
      %get3A = arith.constant 0 : index
      %get3A_26 = arith.constant 0 : index
      %get3A_27 = vector.load %arg2[%get3A, %get3A_26] : memref<4096x128xf32, #tpu.memory_space<vmem>>, vector<4096x128xf32>
      %swap3A = arith.constant 4096 : index
      %swap3A_28 = arith.constant 0 : index
      %swap3A_29 = vector.load %arg9[%swap3A, %swap3A_28] : memref<8192x128xf32, #tpu.memory_space<vmem>>, vector<4096x128xf32>
      tpu.vector_store %arg9[%swap3A, %swap3A_28], %get3A_27 {strides = array<i32>} : memref<8192x128xf32, #tpu.memory_space<vmem>>, vector<4096x128xf32>,
      %get3A_30 = arith.constant 0 : index
      %get3A_31 = arith.constant 0 : index
      %get3A_32 = vector.load %arg6[%get3A_30, %get3A_31] : memref<4096x128xf32, #tpu.memory_space<vmem>>, vector<4096x128xf32>
      %swap3A_33 = arith.constant 4096 : index
      %swap3A_34 = arith.constant 0 : index
      %swap3A_35 = vector.load %arg10[%swap3A_33, %swap3A_34] : memref<8192x128xf32, #tpu.memory_space<vmem>>, vector<4096x128xf32>
      tpu.vector_store %arg10[%swap3A_33, %swap3A_34], %get3A_32 {strides = array<i32>} : memref<8192x128xf32, #tpu.memory_space<vmem>>, vector<4096x128xf32>,
    } else {
    }
    return
  }
  func.func @transform_0(%arg0: i32) -> (i32, i32) {
    %mul3A = arith.constant 2 : i32
    %mul3A_0 = arith.muli %arg0, %mul3A : i32
    %add3A = arith.constant 0 : i32
    %add3A_1 = arith.addi %mul3A_0, %add3A : i32
    %ge3A = arith.constant 1 : i32
    %ge3A_2 = arith.cmpi sge, %add3A_1, %ge3A : i32
    %lt3A = arith.constant 5 : i32
    %lt3A_3 = arith.cmpi slt, %add3A_1, %lt3A : i32
    %and3A = arith.andi %ge3A_2, %lt3A_3 : i1
    %jit3A = arith.constant 0 : i32
    %select_n3A = arith.select %and3A, %jit3A, %add3A_1 : i32
    %c0_i32 = arith.constant 0 : i32
    %c0_i32_4 = arith.constant 0 : i32
    return %select_n3A, %c0_i32 : i32, i32
  }
  func.func @transform_1(%arg0: i32) -> (i32, i32) {
    %mul3A = arith.constant 2 : i32
    %mul3A_0 = arith.muli %arg0, %mul3A : i32
    %add3A = arith.constant 1 : i32
    %add3A_1 = arith.addi %mul3A_0, %add3A : i32
    %ge3A = arith.constant 1 : i32
    %ge3A_2 = arith.cmpi sge, %add3A_1, %ge3A : i32
    %lt3A = arith.constant 5 : i32
    %lt3A_3 = arith.cmpi slt, %add3A_1, %lt3A : i32
    %and3A = arith.andi %ge3A_2, %lt3A_3 : i1
    %jit3A = arith.constant 0 : i32
    %select_n3A = arith.select %and3A, %jit3A, %add3A_1 : i32
    %c0_i32 = arith.constant 0 : i32
    %c0_i32_4 = arith.constant 0 : i32
    return %select_n3A, %c0_i32 : i32, i32
  }
  func.func @transform_2(%arg0: i32) -> (i32, i32) {
    %mul3A = arith.constant 2 : i32
    %mul3A_0 = arith.muli %arg0, %mul3A : i32
    %add3A = arith.constant 0 : i32
    %add3A_1 = arith.addi %mul3A_0, %add3A : i32
    %sub3A = arith.constant 1 : i32
    %sub3A_2 = arith.subi %add3A_1, %sub3A : i32
    %jit3A = arith.constant 0 : i32
    %jit3A_3 = arith.constant 3 : i32
    %max3A = arith.maxsi %jit3A, %sub3A_2 : i32
    %min3A = arith.minsi %jit3A_3, %max3A : i32
    %c0_i32 = arith.constant 0 : i32
    %c0_i32_4 = arith.constant 0 : i32
    return %min3A, %c0_i32 : i32, i32
  }
  func.func @transform_3(%arg0: i32) -> (i32, i32) {
    %mul3A = arith.constant 2 : i32
    %mul3A_0 = arith.muli %arg0, %mul3A : i32
    %add3A = arith.constant 1 : i32
    %add3A_1 = arith.addi %mul3A_0, %add3A : i32
    %sub3A = arith.constant 1 : i32
    %sub3A_2 = arith.subi %add3A_1, %sub3A : i32
    %jit3A = arith.constant 0 : i32
    %jit3A_3 = arith.constant 3 : i32
    %max3A = arith.maxsi %jit3A, %sub3A_2 : i32
    %min3A = arith.minsi %jit3A_3, %max3A : i32
    %c0_i32 = arith.constant 0 : i32
    %c0_i32_4 = arith.constant 0 : i32
    return %min3A, %c0_i32 : i32, i32
  }
  func.func @transform_4(%arg0: i32) -> (i32, i32) {
    %mul3A = arith.constant 2 : i32
    %mul3A_0 = arith.muli %arg0, %mul3A : i32
    %add3A = arith.constant 0 : i32
    %add3A_1 = arith.addi %mul3A_0, %add3A : i32
    %ge3A = arith.constant 1 : i32
    %ge3A_2 = arith.cmpi sge, %add3A_1, %ge3A : i32
    %lt3A = arith.constant 5 : i32
    %lt3A_3 = arith.cmpi slt, %add3A_1, %lt3A : i32
    %and3A = arith.andi %ge3A_2, %lt3A_3 : i1
    %jit3A = arith.constant 0 : i32
    %select_n3A = arith.select %and3A, %jit3A, %add3A_1 : i32
    %c0_i32 = arith.constant 0 : i32
    %c0_i32_4 = arith.constant 0 : i32
    return %select_n3A, %c0_i32 : i32, i32
  }
  func.func @transform_5(%arg0: i32) -> (i32, i32) {
    %mul3A = arith.constant 2 : i32
    %mul3A_0 = arith.muli %arg0, %mul3A : i32
    %add3A = arith.constant 1 : i32
    %add3A_1 = arith.addi %mul3A_0, %add3A : i32
    %ge3A = arith.constant 1 : i32
    %ge3A_2 = arith.cmpi sge, %add3A_1, %ge3A : i32
    %lt3A = arith.constant 5 : i32
    %lt3A_3 = arith.cmpi slt, %add3A_1, %lt3A : i32
    %and3A = arith.andi %ge3A_2, %lt3A_3 : i1
    %jit3A = arith.constant 0 : i32
    %select_n3A = arith.select %and3A, %jit3A, %add3A_1 : i32
    %c0_i32 = arith.constant 0 : i32
    %c0_i32_4 = arith.constant 0 : i32
    return %select_n3A, %c0_i32 : i32, i32
  }
  func.func @transform_6(%arg0: i32) -> (i32, i32) {
    %mul3A = arith.constant 2 : i32
    %mul3A_0 = arith.muli %arg0, %mul3A : i32
    %add3A = arith.constant 0 : i32
    %add3A_1 = arith.addi %mul3A_0, %add3A : i32
    %sub3A = arith.constant 1 : i32
    %sub3A_2 = arith.subi %add3A_1, %sub3A : i32
    %jit3A = arith.constant 0 : i32
    %jit3A_3 = arith.constant 3 : i32
    %max3A = arith.maxsi %jit3A, %sub3A_2 : i32
    %min3A = arith.minsi %jit3A_3, %max3A : i32
    %c0_i32 = arith.constant 0 : i32
    %c0_i32_4 = arith.constant 0 : i32
    return %min3A, %c0_i32 : i32, i32
  }
  func.func @transform_7(%arg0: i32) -> (i32, i32) {
    %mul3A = arith.constant 2 : i32
    %mul3A_0 = arith.muli %arg0, %mul3A : i32
    %add3A = arith.constant 1 : i32
    %add3A_1 = arith.addi %mul3A_0, %add3A : i32
    %sub3A = arith.constant 1 : i32
    %sub3A_2 = arith.subi %add3A_1, %sub3A : i32
    %jit3A = arith.constant 0 : i32
    %jit3A_3 = arith.constant 3 : i32
    %max3A = arith.maxsi %jit3A, %sub3A_2 : i32
    %min3A = arith.minsi %jit3A_3, %max3A : i32
    %c0_i32 = arith.constant 0 : i32
    %c0_i32_4 = arith.constant 0 : i32
    return %min3A, %c0_i32 : i32, i32
  }
  func.func @transform_8(%arg0: i32) -> (i32, i32) {
    %c0_i32 = arith.constant 0 : i32
    %c0_i32_0 = arith.constant 0 : i32
    return %arg0, %c0_i32 : i32, i32
  }
  func.func @transform_9(%arg0: i32) -> (i32, i32) {
    %c0_i32 = arith.constant 0 : i32
    %c0_i32_0 = arith.constant 0 : i32
    return %arg0, %c0_i32 : i32, i32
  }
}

</mosaic_0001>

<sc_bundles>
// kernel: kernel.4.cloned.1.call-start
scs
__scs_entry_jumppad:
0x0: {  	(pc) =	sbr.rel $0x88, $3  }
0x1: {  	(tag) =	ssettag $0x0;
	lr =	simm.s32 $0x1  }
0x2: {  	[smem:$0x3F9A] =	sst lr;
	_ =	strace $0xD0000000  }
0x3: {  	_ = 	snop  }
0x4: {  	_ = 	snop  }
0x5: {  	_ = 	snop  }
0x6: {  	_ = 	snop  }
0x7: {  	_ = 	snop  }
__scs_overlays_trampoline_lowered:
0x8: {  	[smem:$0x3FA9] =	sst s0  }
0x9: {  	[smem:$0x3FAA] =	sst s1  }
0xa: {  	[smem:$0x3FAB] =	sst s2  }
0xb: {  	[smem:$0x3FAC] =	sst s3  }
0xc: {  	[smem:$0x3FAD] =	sst s4  }
0xd: {  	[smem:$0x3FAE] =	sst s5  }
0xe: {  	[smem:$0x3FAF] =	sst s6  }
0xf: {  	[smem:$0x3FB0] =	sst s7  }
0x10: {  	[smem:$0x3FB1] =	sst s8  }
0x11: {  	[smem:$0x3FB2] =	sst s9;
	s0 =	simm.s32 @!p0 $0x0  }
0x12: {  	s1 =	sld [smem:$0x3F98];
	s0 =	simm.s32 @p0 $0x1  }
0x13: {  	[smem:$0x3FB3] =	sst s0;
	s0 =	simm.s32 @!p1 $0x0  }
0x14: {  	s2 =	sld [smem:$0x3F97];
	s0 =	simm.s32 @p1 $0x1  }
0x15: {  	[smem:$0x3FB4] =	sst s0;
	s0 =	simm.s32 @!p2 $0x0  }
0x16: {  	s3 =	sld [smem:$0x3FDB];
	s0 =	simm.s32 @p2 $0x1  }
0x17: {  	s4 =	simm.s32 $0x1BF5;
	[smem:$0x3FB6] =	sst s0  }
0x18: {  	s0 =	sld [smem:$0x3F99];
	_ =	swait.ge [sflag:s4], $0x0  }
0x19: {  	s7 =	sld [smem:$0x3F9A]  }
0x1a: {  	s8 =	sadd.s32 $0xFFFFE003, lr  }
0x1b: {  	s9 =	sadd.s32 $0xFFFFFEF7, lr;
	s5 =	simm.s32 $0xFFFFFFFF;
	p2 =	slt.u32 s8, $0xFFFFF086  }
0x1c: {  	p1 =	slt.u32 s9, $0xF7A;
	s5 =	simm.s32 @!p2 $0x0  }
0x1d: {  	s5 =	simm.s32 @p1 $0x1;
	p0 =	seq.s32 s7, s2  }
0x1e: {  	s7 =	smul.u32 @!p0 $0xF7A, s2;
	p2 =	seq.s32 @!p0 s5, $0x0  }
0x1f: {  	s9 =	smul.u32 $0xF7A, s1;
	s8 =	simm.s32 @!p0 $0x1BF5;
	p2 =	por !p2, p0  }
0x20: {  	[sflag:s8] =	ssyncset.s32 @!p0 $0xFFFFF086;
	s6 =	sadd.s32 @!p0 s3, s7;
	s7 =	simm.s32 @!p0 $0x108  }
0x21: {  	s3 =	sadd.s32 s3, s9;
	s6 =	sadd.s32 @!p0 $0x88, s6;
	s7 =	simm.s32 @p2 $0x1082  }
0x22: {  	[simem:s7], [sflag:s8] =	dma.local @!p0 [hbm:s6], $0xF7A  }
0x23: {  	s9 =	sor.u32 $0xD0000000, s2;
	s6 =	simm.s32 $0x108;
	_ =	swait.ge @!p0 [sflag:s8], $0x0  }
0x24: {  	s3 =	sadd.s32 $0x88, s3;
	s6 =	simm.s32 @!p1 $0x1082;
	[sflag:s4] =	ssyncset.s32 $0xFFFFF086  }
0x25: {  	[simem:s6], [sflag:s4] =	dma.local [hbm:s3], $0xF7A  }
0x26: {  	[smem:$0x3F9A] =	sst s1;
	(tag) =	ssettag s2;
	_ =	strace s9  }
0x27: {  	s1 =	sld [smem:$0x3FAA]  }
0x28: {  	s2 =	sld [smem:$0x3FAB]  }
0x29: {  	s4 =	sld [smem:$0x3FAD]  }
0x2a: {  	p0 =	seq.s32 s5, $0x0;
	s5 =	sld [smem:$0x3FAE]  }
0x2b: {  	s6 =	sld [smem:$0x3FAF]  }
0x2c: {  	s7 =	sld [smem:$0x3FB0]  }
0x2d: {  	s3 =	simm.s32 $0x108;
	s8 =	sld [smem:$0x3FB1]  }
0x2e: {  	s3 =	simm.s32 @!p0 $0x1082;
	s9 =	sld [smem:$0x3FB2]  }
0x2f: {  	lr =	sadd.s32 s0, s3;
	s0 =	sld [smem:$0x3FA9]  }
0x30: {  	s3 =	sld [smem:$0x3FAC]  }
0x31: {  	[smem:$0x3FB5] =	sst s10  }
0x32: {  	s10 =	sld [smem:$0x3FB3];
	_ =	sdelay $0x3  }
0x33: {  	p0 =	seq.s32 s10, $0x1;
	s10 =	sld [smem:$0x3FB5];
	_ =	sdelay $0x3  }
0x34: {  	[smem:$0x3FB5] =	sst s10  }
0x35: {  	s10 =	sld [smem:$0x3FB4];
	_ =	sdelay $0x3  }
0x36: {  	p1 =	seq.s32 s10, $0x1;
	s10 =	sld [smem:$0x3FB5];
	_ =	sdelay $0x3  }
0x37: {  	[smem:$0x3FB5] =	sst s10  }
0x38: {  	s10 =	sld [smem:$0x3FB6]  }
0x39: {  	_ = 	snop;
	(pc) =	sbr.ind lr, $3  }
0x3a: {  	_ = 	snop  }
0x3b: {  	_ = 	snop  }
0x3c: {  	p2 =	seq.s32 s10, $0x1;
	s10 =	sld [smem:$0x3FB5]  }
0x3d: {  	_ =	shalt  }
0x3e: {  	_ =	shalt  }
0x3f: {  	_ =	shalt  }
0x40: {  	_ =	shalt  }
0x41: {  	_ =	shalt  }
0x42: {  	_ =	shalt  }
0x43: {  	_ =	shalt  }
0x44: {  	_ =	shalt  }
0x45: {  	_ =	shalt  }
0x46: {  	_ =	shalt  }
0x47: {  	_ =	shalt  }
0x48: {  	_ =	shalt  }
0x49: {  	_ =	shalt  }
0x4a: {  	_ =	shalt  }
0x4b: {  	_ =	shalt  }
0x4c: {  	_ =	shalt  }
0x4d: {  	_ =	shalt  }
0x4e: {  	_ =	shalt  }
0x4f: {  	_ =	shalt  }
0x50: {  	_ =	shalt  }
0x51: {  	_ =	shalt  }
0x52: {  	_ =	shalt  }
0x53: {  	_ =	shalt  }
0x54: {  	_ =	shalt  }
0x55: {  	_ =	shalt  }
0x56: {  	_ =	shalt  }
0x57: {  	_ =	shalt  }
0x58: {  	_ =	shalt  }
0x59: {  	_ =	shalt  }
0x5a: {  	_ =	shalt  }
0x5b: {  	_ =	shalt  }
0x5c: {  	_ =	shalt  }
0x5d: {  	_ =	shalt  }
0x5e: {  	_ =	shalt  }
0x5f: {  	_ =	shalt  }
0x60: {  	_ =	shalt  }
0x61: {  	_ =	shalt  }
0x62: {  	_ =	shalt  }
0x63: {  	_ =	shalt  }
0x64: {  	_ =	shalt  }
0x65: {  	_ =	shalt  }
0x66: {  	_ =	shalt  }
0x67: {  	_ =	shalt  }
0x68: {  	_ =	shalt  }
0x69: {  	_ =	shalt  }
0x6a: {  	_ =	shalt  }
0x6b: {  	_ =	shalt  }
0x6c: {  	_ =	shalt  }
0x6d: {  	_ =	shalt  }
0x6e: {  	_ =	shalt  }
0x6f: {  	_ =	shalt  }
0x70: {  	_ =	shalt  }
0x71: {  	_ =	shalt  }
0x72: {  	_ =	shalt  }
0x73: {  	_ =	shalt  }
0x74: {  	_ =	shalt  }
0x75: {  	_ =	shalt  }
0x76: {  	_ =	shalt  }
0x77: {  	_ =	shalt  }
0x78: {  	_ =	shalt  }
0x79: {  	_ =	shalt  }
0x7a: {  	_ =	shalt  }
0x7b: {  	_ =	shalt  }
0x7c: {  	_ =	shalt  }
0x7d: {  	_ =	shalt  }
0x7e: {  	_ =	shalt  }
0x7f: {  	_ =	shalt  }
0x80: {  	_ =	shalt  }
0x81: {  	_ =	shalt  }
0x82: {  	_ =	shalt  }
0x83: {  	_ =	shalt  }
0x84: {  	_ =	shalt  }
0x85: {  	_ =	shalt  }
0x86: {  	_ =	shalt  }
0x87: {  	_ =	shalt  }
.Lfunc_end0:
.L_simem_size_0:
called_computation_lowered:
.L_overlay_start_0:
0x88: {  	s2 =	sld [smem:$0x3FD9]  }
0x89: {  	s3 =	sld [smem:$0x3FFE];
	_ =	sdelay $0x1  }
0x8a: {  	s1 =	srdreg.scid  }
0x8b: {  	s0 =	sand.u32 $0x1, s1  }
0x8c: {  	s15 =	sshll.u32 s0, $0xA;
	s2 =	sadd.s32 s3, s2  }
0x8d: {  	s2 =	sadd.s32 s2, s15  }
0x8e: {  	[smem:$0x3FC1] =	sst s2  }
0x8f: {  	_ = 	snop  }
0x90: {  	s2 =	sld [smem:$0x3FD0];
	_ =	sdelay $0x1  }
0x91: {  	s16 =	sld [smem:$0x3FC7]  }
0x92: {  	s5 =	simm.s32 $0xA;
	s6 =	simm.s32 $0x10;
	s4 =	sld [smem:$0x3FC3]  }
0x93: {  	[smem:s6], [sflag:s5] =	dma.local [hbm:s2], $0x1  }
0x94: {  	_ =	swait.eq [sflag:s5], $0x1  }
0x95: {  	[sflag:s5] =	ssyncset.done $0x0  }
0x96: {  	[sflag:s5] =	ssyncadd.s32 $0xFFFFFFFF  }
0x97: {  	s17 =	sld [smem:$0x12];
	(tm) =	ssettm $0x1  }
0x98: {  	s18 =	sld [smem:$0x3FFB];
	_ =	sdelay $0x3  }
0x99: {  	_ =	strace s18  }
0x9a: {  	s5 =	sld [smem:$0x3FFC];
	_ =	sdelay $0x3  }
0x9b: {  	_ =	strace s5  }
0x9c: {  	s5 =	sld [smem:$0x3FFD];
	_ =	sdelay $0x3  }
0x9d: {  	_ =	strace s5  }
0x9e: {  	_ =	strace $0x8FFFFFFF  }
0x9f: {  	s19 =	sld [smem:$0x3FDB];
	_ =	sdelay $0x1  }
0xa0: {  	s20 =	simm.s32 $_scs_section_size  }
0xa1: {  	s7 =	simm.s32 $_size__tile_overlayer_lowered;
	s8 =	simm.s32 $_tile_overlayer_lowered  }
0xa2: {  	s23 =	simm.s32 $0x1BFF;
	s22 =	sshll.u32 s8, $0x1;
	s5 =	sadd.s32 s20, s19  }
0xa3: {  	s9 =	simm.s32 $0x0;
	s21 =	sshll.u32 s7, $0x1;
	s7 =	sadd.s32 s22, s5  }
0xa4: {  	[timem:s9], [sflag:s23] =	dma.local [hbm:s7], s21  }
0xa5: {  	_ =	swait.ge [sflag:s23], s21  }
0xa6: {  	s6 =	ssub.s32 $0x0, s21;
	[sflag:s23] =	ssyncset.done $0x0  }
0xa7: {  	[sflag:s23] =	ssyncadd.s32 s6;
	_ =	sdelay $0x1  }
0xa8: {  	s24 =	simm.s32 $0x1B8B  }
0xa9: {  	_ =	swait.ge [sflag:s24], $0x1  }
0xaa: {  	[sflag:s24] =	ssyncset.done $0x0  }
0xab: {  	s25 =	simm.s32 $0x1B8E;
	[sflag:s24] =	ssyncadd.s32 $0xFFFFFFFF  }
0xac: {  	s26 =	simm.s32 $execute0_lowered;
	[smem:$0x3FD2] =	sst s25  }
0xad: {  	s6 =	sshll.u32 s26, $0x1;
	_ =	strace $0x80000046;
	[dreg:$0x1] =	wrdreg $0xFFFFFFFF  }
0xae: {  	s28 =	simm.s32 $_size_execute0_lowered;
	s5 =	sadd.s32 s5, s6;
	[dreg:$0x0] =	wrdreg $0x0  }
0xaf: {  	s6 =	sshll.u32 s28, $0x1;
	[dreg:$0x2] =	wrdreg s5  }
0xb0: {  	[dreg:$0x3] =	wrdreg s6  }
0xb1: {  	[dreg:$0x4] =	wrdreg $0xC0  }
0xb2: {  	_ =	task [dreg:s9], $0x5FFFF  }
0xb3: {  	[dreg:$0x1] =	wrdreg $0xFFFFFFFF  }
0xb4: {  	[dreg:$0x0] =	wrdreg $0x60  }
0xb5: {  	[dreg:$0x2] =	wrdreg s16  }
0xb6: {  	[dreg:$0x3] =	wrdreg s4  }
0xb7: {  	[dreg:$0x4] =	wrdreg s17  }
0xb8: {  	[dreg:$0x5] =	wrdreg $0x9  }
0xb9: {  	_ =	task.clear_ibuf [dreg:s9], $0x6FFFF;
	_ =	strace $0x90000046  }
0xba: {  	s29 =	simm.s32 $0x9;
	_ =	strace $0x80000048  }
0xbb: {  	_ =	swait.ge [sflag:s29], $0x1  }
0xbc: {  	[sflag:s29] =	ssyncadd.s32 $0xFFFFFFFF  }
0xbd: {  	_ =	strace $0x90000048  }
0xbe: {  	_ =	sfence  }
0xbf: {  	s30 =	sld [smem:$0x0];
	_ =	sdelay $0x2  }
0xc0: {  	s31 =	sshll.u32 s1, $0xD;
	s1 =	sshrl.u32 s1, $0x2  }
0xc1: {  	s3 =	sand.u32 $0x4000, s31;
	s1 =	sadd.s32 s1, s30  }
0xc2: {  	s0 =	sor.u32 s3, s0;
	s1 =	sshll.u32 s1, $0x11  }
0xc3: {  	s0 =	sor.u32 s1, s0  }
0xc4: {  	s0 =	sadd.s32 $0x8F2B, s0  }
0xc5: {  	[sflag:s0] =	ssyncadd.remote.s32 $0x1  }
0xc6: {  	_ =	sfence.sel $0xFFFF  }
0xc7: {  	[dreg:$0x0] =	wrdreg $0xFFFFFFFF;
	(pc) =	sbr.abs _section_cstart, $3  }
0xc8: {  	[dreg:$0x1] =	wrdreg $0xFFFFFFFF  }
0xc9: {  	_ =	task.clear_ibuf [dreg:s9], $0x2FFFF;
	_ =	strace $0x9FFFFFFF  }
0xca: {  	(tm) =	ssettm $0x7FFFFFFF  }
0xcb: {  	_ =	shalt  }
tec
execute0_lowered:
.L_overlay_start_1:
0x0: {  	(tag) =	ssettag $0x1  }
0x1: {  	s1 =	srdreg.scid;
	s0 =	stileid.u32  }
0x2: {  	s1 =	sand.u32 $0x1, s1;
	s2 =	sshll.u32 s0, $0x1  }
0x3: {  	s26 =	rddreg [dreg:$0x0];
	s30 =	sor.u32 s1, s2  }
0x4: {  	s29 =	rddreg [dreg:$0x1];
	s2 =	smul.u32 $0x1E00, s30  }
0x5: {  	s31 =	rddreg [dreg:$0x2]  }
0x6: {  	[dreg:$0xe] =	wrdreg s1;
	s28 =	sshrl.u32 s2, $0x3  }
0x7: {  	p0 =	seq.s32 s30, $0x0;
	s2 =	simm.s32 $0x0;
	s3 =	sadd.s32 $0x800, s28  }
0x8: {  	[smem:$0x7FF] =	sst s2;
	s4 =	sadd.s32 $0x840, s28;
	s3 =	simm.s32 @p0 $0x0  }
0x9: {  	s6 =	sadd.s32 $0x880, s28;
	s4 =	simm.s32 @p0 $0x40;
	s5 =	sadd.s32 s26, s3  }
0xa: {  	_ =	strace $0x80000047;
	s11 =	sadd.s32 s26, s4;
	[dreg:$0x4] =	wrdreg s5  }
0xb: {  	s6 =	simm.s32 @p0 $0x80;
	s3 =	sadd.s32 s31, s3;
	[dreg:$0x5] =	wrdreg s11  }
0xc: {  	s12 =	sadd.s32 s26, s6;
	[dreg:$0x6] =	wrdreg s3  }
0xd: {  	s0 =	sadd.s32 $0x900, s28;
	s13 =	sadd.s32 s31, s4;
	[dreg:$0x7] =	wrdreg s12  }
0xe: {  	s0 =	simm.s32 @p0 $0x100;
	s15 =	sadd.s32 s31, s6;
	[dreg:$0x8] =	wrdreg s13  }
0xf: {  	s16 =	sadd.s32 s26, s0;
	[dreg:$0xa] =	wrdreg s15  }
0x10: {  	s5 =	sadd.s32 $0x8C0, s28;
	[dreg:$0xb] =	wrdreg s16  }
0x11: {  	s5 =	simm.s32 @p0 $0xC0;
	s17 =	rddreg [dreg:$0x4]  }
0x12: {  	s19 =	rddreg [dreg:$0x5];
	s14 =	sadd.s32 s26, s5  }
0x13: {  	[tilespmem:s2], [sflag:$0x1] =	stream.linear.gather [hbm4b:s17+s2], $0x200, $0x38;
	[tilespmem:$0x400] =	vst v63  }
0x14: {  	s18 =	sadd.s32 s31, s5;
	[dreg:$0x9] =	wrdreg s14  }
0x15: {  	s4 =	simm.s32 $0x1;
	s3 =	simm.s32 $0x200;
	[dreg:$0xc] =	wrdreg s18  }
0x16: {  	[tilespmem:s3], [sflag:$0x2] =	stream.linear.gather [hbm4b:s19+s2], $0x200, $0x38;
	[tilespmem:$0x400] =	vst v63  }
0x17: {  	_ =	swait.ge [sflag:s4], $0x200  }
0x18: {  	[sflag:s4] =	ssyncset.done $0x0  }
0x19: {  	s5 =	simm.s32 $0x3;
	s20 =	rddreg [dreg:$0x6];
	[sflag:s4] =	ssyncadd.s32 $0xFFFFFE00  }
0x1a: {  	[hbm4b:s20+s2] =	stream.linear.scatter [tilespmem:s2], [sflag:$0x3], $0x200, $0x38;
	[tilespmem:$0x400] =	vst v63  }
0x1b: {  	_ =	swait.ge [sflag:s5], $0x200  }
0x1c: {  	[sflag:s5] =	ssyncset.done $0x0  }
0x1d: {  	s6 =	simm.s32 $0x2;
	s7 =	rddreg [dreg:$0x7];
	[sflag:s5] =	ssyncadd.s32 $0xFFFFFE00  }
0x1e: {  	[tilespmem:s2], [sflag:$0x1] =	stream.linear.gather [hbm4b:s7+s2], $0x200, $0x38;
	[tilespmem:$0x400] =	vst v63  }
0x1f: {  	_ =	swait.ge [sflag:s6], $0x200  }
0x20: {  	[sflag:s6] =	ssyncset.done $0x0  }
0x21: {  	s7 =	simm.s32 $0x4;
	s8 =	rddreg [dreg:$0x8];
	[sflag:s6] =	ssyncadd.s32 $0xFFFFFE00  }
0x22: {  	[hbm4b:s8+s2] =	stream.linear.scatter [tilespmem:s3], [sflag:$0x4], $0x200, $0x38;
	[tilespmem:$0x400] =	vst v63  }
0x23: {  	_ =	swait.ge [sflag:s7], $0x200  }
0x24: {  	[sflag:s7] =	ssyncset.done $0x0  }
0x25: {  	s21 =	rddreg [dreg:$0x9];
	[sflag:s7] =	ssyncadd.s32 $0xFFFFFE00  }
0x26: {  	[tilespmem:s3], [sflag:$0x2] =	stream.linear.gather [hbm4b:s21+s2], $0x200, $0x38;
	[tilespmem:$0x400] =	vst v63  }
0x27: {  	_ =	swait.ge [sflag:s4], $0x200  }
0x28: {  	[sflag:s4] =	ssyncset.done $0x0  }
0x29: {  	s22 =	rddreg [dreg:$0xa];
	[sflag:s4] =	ssyncadd.s32 $0xFFFFFE00  }
0x2a: {  	[hbm4b:s22+s2] =	stream.linear.scatter [tilespmem:s2], [sflag:$0x3], $0x200, $0x38;
	[tilespmem:$0x400] =	vst v63  }
0x2b: {  	_ =	swait.ge [sflag:s5], $0x200  }
0x2c: {  	[sflag:s5] =	ssyncset.done $0x0  }
0x2d: {  	s23 =	rddreg [dreg:$0xb];
	[sflag:s5] =	ssyncadd.s32 $0xFFFFFE00  }
0x2e: {  	[tilespmem:s2], [sflag:$0x1] =	stream.linear.gather [hbm4b:s23+s2], $0x200, $0x38;
	[tilespmem:$0x400] =	vst v63  }
0x2f: {  	_ =	swait.ge [sflag:s6], $0x200  }
0x30: {  	[sflag:s6] =	ssyncset.done $0x0  }
0x31: {  	s11 =	sadd.s32 $0x940, s28;
	s24 =	rddreg [dreg:$0xc];
	[sflag:s6] =	ssyncadd.s32 $0xFFFFFE00  }
0x32: {  	[hbm4b:s24+s2] =	stream.linear.scatter [tilespmem:s3], [sflag:$0x4], $0x200, $0x38;
	[tilespmem:$0x400] =	vst v63  }
0x33: {  	s11 =	simm.s32 @p0 $0x140;
	_ =	swait.ge [sflag:s7], $0x200  }
0x34: {  	s25 =	sadd.s32 s26, s11;
	[sflag:s7] =	ssyncset.done $0x0  }
0x35: {  	[dreg:$0xd] =	wrdreg s25;
	[sflag:s7] =	ssyncadd.s32 $0xFFFFFE00  }
0x36: {  	[tilespmem:s3], [sflag:$0x2] =	stream.linear.gather [hbm4b:s25+s2], $0x200, $0x38;
	[tilespmem:$0x400] =	vst v63  }
0x37: {  	_ =	swait.ge [sflag:s4], $0x200  }
0x38: {  	[sflag:s4] =	ssyncset.done $0x0  }
0x39: {  	s0 =	sadd.s32 s31, s0;
	[sflag:s4] =	ssyncadd.s32 $0xFFFFFE00  }
0x3a: {  	[hbm4b:s0+s2] =	stream.linear.scatter [tilespmem:s2], [sflag:$0x3], $0x200, $0x38;
	[tilespmem:$0x400] =	vst v63  }
0x3b: {  	s13 =	sadd.s32 $0x980, s28;
	_ =	swait.ge [sflag:s5], $0x200  }
0x3c: {  	s13 =	simm.s32 @p0 $0x180;
	[sflag:s5] =	ssyncset.done $0x0  }
0x3d: {  	s10 =	sadd.s32 s26, s13;
	[sflag:s5] =	ssyncadd.s32 $0xFFFFFE00  }
0x3e: {  	[tilespmem:s2], [sflag:$0x1] =	stream.linear.gather [hbm4b:s10+s2], $0x200, $0x38;
	[tilespmem:$0x400] =	vst v63  }
0x3f: {  	_ =	swait.ge [sflag:s6], $0x200  }
0x40: {  	[sflag:s6] =	ssyncset.done $0x0  }
0x41: {  	s11 =	sadd.s32 s31, s11;
	[sflag:s6] =	ssyncadd.s32 $0xFFFFFE00  }
0x42: {  	[hbm4b:s11+s2] =	stream.linear.scatter [tilespmem:s3], [sflag:$0x4], $0x200, $0x38;
	[tilespmem:$0x400] =	vst v63  }
0x43: {  	s15 =	sadd.s32 $0x9C0, s28;
	_ =	swait.ge [sflag:s7], $0x200  }
0x44: {  	s15 =	simm.s32 @p0 $0x1C0;
	[sflag:s7] =	ssyncset.done $0x0  }
0x45: {  	s12 =	sadd.s32 s26, s15;
	[sflag:s7] =	ssyncadd.s32 $0xFFFFFE00  }
0x46: {  	[tilespmem:s3], [sflag:$0x2] =	stream.linear.gather [hbm4b:s12+s2], $0x200, $0x38;
	[tilespmem:$0x400] =	vst v63  }
0x47: {  	_ =	swait.ge [sflag:s4], $0x200  }
0x48: {  	[sflag:s4] =	ssyncset.done $0x0  }
0x49: {  	s13 =	sadd.s32 s31, s13;
	[sflag:s4] =	ssyncadd.s32 $0xFFFFFE00  }
0x4a: {  	[hbm4b:s13+s2] =	stream.linear.scatter [tilespmem:s2], [sflag:$0x3], $0x200, $0x38;
	[tilespmem:$0x400] =	vst v63  }
0x4b: {  	_ =	swait.ge [sflag:s5], $0x200  }
0x4c: {  	s17 =	sadd.s32 $0xA00, s28;
	[sflag:s5] =	ssyncset.done $0x0  }
0x4d: {  	s14 =	sadd.s32 s26, s17;
	[sflag:s5] =	ssyncadd.s32 $0xFFFFFE00  }
0x4e: {  	[tilespmem:s2], [sflag:$0x1] =	stream.linear.gather [hbm4b:s14+s2], $0x200, $0x38;
	[tilespmem:$0x400] =	vst v63  }
0x4f: {  	_ =	swait.ge [sflag:s6], $0x200  }
0x50: {  	[sflag:s6] =	ssyncset.done $0x0  }
0x51: {  	s15 =	sadd.s32 s31, s15;
	[sflag:s6] =	ssyncadd.s32 $0xFFFFFE00  }
0x52: {  	[hbm4b:s15+s2] =	stream.linear.scatter [tilespmem:s3], [sflag:$0x4], $0x200, $0x38;
	[tilespmem:$0x400] =	vst v63  }
0x53: {  	_ =	swait.ge [sflag:s7], $0x200  }
0x54: {  	s19 =	sadd.s32 $0xA40, s28;
	[sflag:s7] =	ssyncset.done $0x0  }
0x55: {  	s16 =	sadd.s32 s26, s19;
	[sflag:s7] =	ssyncadd.s32 $0xFFFFFE00  }
0x56: {  	[tilespmem:s3], [sflag:$0x2] =	stream.linear.gather [hbm4b:s16+s2], $0x200, $0x38;
	[tilespmem:$0x400] =	vst v63  }
0x57: {  	_ =	swait.ge [sflag:s4], $0x200  }
0x58: {  	[sflag:s4] =	ssyncset.done $0x0  }
0x59: {  	s17 =	sadd.s32 s31, s17;
	[sflag:s4] =	ssyncadd.s32 $0xFFFFFE00  }
0x5a: {  	[hbm4b:s17+s2] =	stream.linear.scatter [tilespmem:s2], [sflag:$0x3], $0x200, $0x38;
	[tilespmem:$0x400] =	vst v63  }
0x5b: {  	_ =	swait.ge [sflag:s5], $0x200  }
0x5c: {  	s21 =	sadd.s32 $0xA80, s28;
	[sflag:s5] =	ssyncset.done $0x0  }
0x5d: {  	s18 =	sadd.s32 s26, s21;
	[sflag:s5] =	ssyncadd.s32 $0xFFFFFE00  }
0x5e: {  	[tilespmem:s2], [sflag:$0x1] =	stream.linear.gather [hbm4b:s18+s2], $0x200, $0x38;
	[tilespmem:$0x400] =	vst v63  }
0x5f: {  	_ =	swait.ge [sflag:s6], $0x200  }
0x60: {  	[sflag:s6] =	ssyncset.done $0x0  }
0x61: {  	s19 =	sadd.s32 s31, s19;
	[sflag:s6] =	ssyncadd.s32 $0xFFFFFE00  }
0x62: {  	[hbm4b:s19+s2] =	stream.linear.scatter [tilespmem:s3], [sflag:$0x4], $0x200, $0x38;
	[tilespmem:$0x400] =	vst v63  }
0x63: {  	_ =	swait.ge [sflag:s7], $0x200  }
0x64: {  	s23 =	sadd.s32 $0xAC0, s28;
	[sflag:s7] =	ssyncset.done $0x0  }
0x65: {  	s20 =	sadd.s32 s26, s23;
	[sflag:s7] =	ssyncadd.s32 $0xFFFFFE00  }
0x66: {  	[tilespmem:s3], [sflag:$0x2] =	stream.linear.gather [hbm4b:s20+s2], $0x200, $0x38;
	[tilespmem:$0x400] =	vst v63  }
0x67: {  	_ =	swait.ge [sflag:s4], $0x200  }
0x68: {  	[sflag:s4] =	ssyncset.done $0x0  }
0x69: {  	s21 =	sadd.s32 s31, s21;
	[sflag:s4] =	ssyncadd.s32 $0xFFFFFE00  }
0x6a: {  	[hbm4b:s21+s2] =	stream.linear.scatter [tilespmem:s2], [sflag:$0x3], $0x200, $0x38;
	[tilespmem:$0x400] =	vst v63  }
0x6b: {  	_ =	swait.ge [sflag:s5], $0x200  }
0x6c: {  	s25 =	sadd.s32 $0xB00, s28;
	[sflag:s5] =	ssyncset.done $0x0  }
0x6d: {  	s22 =	sadd.s32 s26, s25;
	[sflag:s5] =	ssyncadd.s32 $0xFFFFFE00  }
0x6e: {  	[tilespmem:s2], [sflag:$0x1] =	stream.linear.gather [hbm4b:s22+s2], $0x200, $0x38;
	[tilespmem:$0x400] =	vst v63  }
0x6f: {  	_ =	swait.ge [sflag:s6], $0x200  }
0x70: {  	[sflag:s6] =	ssyncset.done $0x0  }
0x71: {  	s23 =	sadd.s32 s31, s23;
	[sflag:s6] =	ssyncadd.s32 $0xFFFFFE00  }
0x72: {  	[hbm4b:s23+s2] =	stream.linear.scatter [tilespmem:s3], [sflag:$0x4], $0x200, $0x38;
	[tilespmem:$0x400] =	vst v63  }
0x73: {  	_ =	swait.ge [sflag:s7], $0x200  }
0x74: {  	s8 =	sadd.s32 $0xB40, s28;
	[sflag:s7] =	ssyncset.done $0x0  }
0x75: {  	s24 =	sadd.s32 s26, s8;
	[sflag:s7] =	ssyncadd.s32 $0xFFFFFE00  }
0x76: {  	[tilespmem:s3], [sflag:$0x2] =	stream.linear.gather [hbm4b:s24+s2], $0x200, $0x38;
	[tilespmem:$0x400] =	vst v63  }
0x77: {  	_ =	swait.ge [sflag:s4], $0x200  }
0x78: {  	[sflag:s4] =	ssyncset.done $0x0  }
0x79: {  	s25 =	sadd.s32 s31, s25;
	[sflag:s4] =	ssyncadd.s32 $0xFFFFFE00  }
0x7a: {  	[hbm4b:s25+s2] =	stream.linear.scatter [tilespmem:s2], [sflag:$0x3], $0x200, $0x38;
	[tilespmem:$0x400] =	vst v63  }
0x7b: {  	_ =	swait.ge [sflag:s5], $0x200  }
0x7c: {  	s1 =	sadd.s32 $0xB80, s28;
	[sflag:s5] =	ssyncset.done $0x0  }
0x7d: {  	s26 =	sadd.s32 s26, s1;
	[sflag:s5] =	ssyncadd.s32 $0xFFFFFE00  }
0x7e: {  	[tilespmem:s2], [sflag:$0x1] =	stream.linear.gather [hbm4b:s26+s2], $0x200, $0x38;
	[tilespmem:$0x400] =	vst v63  }
0x7f: {  	_ =	swait.ge [sflag:s6], $0x200  }
0x80: {  	[sflag:s6] =	ssyncset.done $0x0  }
0x81: {  	s28 =	sadd.s32 s31, s8;
	[sflag:s6] =	ssyncadd.s32 $0xFFFFFE00  }
0x82: {  	[hbm4b:s28+s2] =	stream.linear.scatter [tilespmem:s3], [sflag:$0x4], $0x200, $0x38;
	[tilespmem:$0x400] =	vst v63  }
0x83: {  	_ =	swait.ge [sflag:s7], $0x200  }
0x84: {  	s8 =	sshll.u32 s30, $0x6;
	[sflag:s7] =	ssyncset.done $0x0  }
0x85: {  	s29 =	sadd.s32 s29, s8;
	[sflag:s7] =	ssyncadd.s32 $0xFFFFFE00  }
0x86: {  	[tilespmem:s3], [sflag:$0x2] =	stream.linear.gather [hbm4b:s29+s2], $0x200, $0x38;
	[tilespmem:$0x400] =	vst v63  }
0x87: {  	_ =	swait.ge [sflag:s4], $0x200  }
0x88: {  	[sflag:s4] =	ssyncset.done $0x0  }
0x89: {  	s30 =	sadd.s32 s31, s1;
	[sflag:s4] =	ssyncadd.s32 $0xFFFFFE00  }
0x8a: {  	[hbm4b:s30+s2] =	stream.linear.scatter [tilespmem:s2], [sflag:$0x3], $0x200, $0x38;
	[tilespmem:$0x400] =	vst v63  }
0x8b: {  	s9 =	smov.u32 s0;
	_ =	swait.ge [sflag:s6], $0x200  }
0x8c: {  	s0 =	sadd.s32 s8, s31;
	[sflag:s6] =	ssyncset.done $0x0;
	s8 =	rddreg [dreg:$0xe]  }
0x8d: {  	s31 =	sadd.s32 $0x200, s0;
	s1 =	ssub.s32 $0x2, s8;
	[sflag:s6] =	ssyncadd.s32 $0xFFFFFE00  }
0x8e: {  	[hbm4b:s31+s2] =	stream.linear.scatter [tilespmem:s3], [sflag:$0x4], $0x200, $0x38;
	[tilespmem:$0x400] =	vst v63  }
0x8f: {  	s8 =	sshrl.u32 s1, $0x1  }
0x90: {  	s0 =	ssub.s32 s1, s8  }
0x91: {  	s0 =	smax.u32 s0, $0x1  }
0x92: {  	p0 =	sne.s32 s0, $0x1  }
.Ltmp0:
0x93: {  	_ =	swait.ge [sflag:s5], $0x200;
	(pc) =	sbr.rel @!p0 .LBB2_2-.Ltmp0, $4  }
0x94: {  	[sflag:s5] =	ssyncset.done $0x0  }
0x95: {  	[sflag:s5] =	ssyncadd.s32 $0xFFFFFE00  }
0x96: {  	_ =	swait.ge [sflag:s7], $0x200  }
0x97: {  	s1 =	sadd.s32 $0xFFFFFFFF, s0;
	[sflag:s7] =	ssyncset.done $0x0  }
.LBB2_1:
0x98: {  	s0 =	rddreg [dreg:$0x4];
	[sflag:s7] =	ssyncadd.s32 $0xFFFFFE00  }
0x99: {  	[tilespmem:s2], [sflag:$0x1] =	stream.linear.gather [hbm4b:s0+s2], $0x200, $0x38;
	[tilespmem:$0x400] =	vst v63  }
0x9a: {  	s8 =	rddreg [dreg:$0x5]  }
0x9b: {  	[tilespmem:s3], [sflag:$0x2] =	stream.linear.gather [hbm4b:s8+s2], $0x200, $0x38;
	[tilespmem:$0x400] =	vst v63  }
0x9c: {  	_ =	swait.ge [sflag:s4], $0x200  }
0x9d: {  	[sflag:s4] =	ssyncset.done $0x0  }
0x9e: {  	s8 =	rddreg [dreg:$0x6];
	[sflag:s4] =	ssyncadd.s32 $0xFFFFFE00  }
0x9f: {  	[hbm4b:s8+s2] =	stream.linear.scatter [tilespmem:s2], [sflag:$0x3], $0x200, $0x38;
	[tilespmem:$0x400] =	vst v63  }
0xa0: {  	_ =	swait.ge [sflag:s5], $0x200  }
0xa1: {  	[sflag:s5] =	ssyncset.done $0x0  }
0xa2: {  	s8 =	rddreg [dreg:$0x7];
	[sflag:s5] =	ssyncadd.s32 $0xFFFFFE00  }
0xa3: {  	[tilespmem:s2], [sflag:$0x1] =	stream.linear.gather [hbm4b:s8+s2], $0x200, $0x38;
	[tilespmem:$0x400] =	vst v63  }
0xa4: {  	_ =	swait.ge [sflag:s6], $0x200  }
0xa5: {  	[sflag:s6] =	ssyncset.done $0x0  }
0xa6: {  	s8 =	rddreg [dreg:$0x8];
	[sflag:s6] =	ssyncadd.s32 $0xFFFFFE00  }
0xa7: {  	[hbm4b:s8+s2] =	stream.linear.scatter [tilespmem:s3], [sflag:$0x4], $0x200, $0x38;
	[tilespmem:$0x400] =	vst v63  }
0xa8: {  	_ =	swait.ge [sflag:s7], $0x200  }
0xa9: {  	[sflag:s7] =	ssyncset.done $0x0  }
0xaa: {  	s8 =	rddreg [dreg:$0x9];
	[sflag:s7] =	ssyncadd.s32 $0xFFFFFE00  }
0xab: {  	[tilespmem:s3], [sflag:$0x2] =	stream.linear.gather [hbm4b:s8+s2], $0x200, $0x38;
	[tilespmem:$0x400] =	vst v63  }
0xac: {  	_ =	swait.ge [sflag:s4], $0x200  }
0xad: {  	[sflag:s4] =	ssyncset.done $0x0  }
0xae: {  	s8 =	rddreg [dreg:$0xa];
	[sflag:s4] =	ssyncadd.s32 $0xFFFFFE00  }
0xaf: {  	[hbm4b:s8+s2] =	stream.linear.scatter [tilespmem:s2], [sflag:$0x3], $0x200, $0x38;
	[tilespmem:$0x400] =	vst v63  }
0xb0: {  	_ =	swait.ge [sflag:s5], $0x200  }
0xb1: {  	[sflag:s5] =	ssyncset.done $0x0  }
0xb2: {  	s8 =	rddreg [dreg:$0xb];
	[sflag:s5] =	ssyncadd.s32 $0xFFFFFE00  }
0xb3: {  	[tilespmem:s2], [sflag:$0x1] =	stream.linear.gather [hbm4b:s8+s2], $0x200, $0x38;
	[tilespmem:$0x400] =	vst v63  }
0xb4: {  	_ =	swait.ge [sflag:s6], $0x200  }
0xb5: {  	[sflag:s6] =	ssyncset.done $0x0  }
0xb6: {  	s8 =	rddreg [dreg:$0xc];
	[sflag:s6] =	ssyncadd.s32 $0xFFFFFE00  }
0xb7: {  	[hbm4b:s8+s2] =	stream.linear.scatter [tilespmem:s3], [sflag:$0x4], $0x200, $0x38;
	[tilespmem:$0x400] =	vst v63  }
0xb8: {  	_ =	swait.ge [sflag:s7], $0x200  }
0xb9: {  	[sflag:s7] =	ssyncset.done $0x0  }
0xba: {  	s8 =	rddreg [dreg:$0xd];
	[sflag:s7] =	ssyncadd.s32 $0xFFFFFE00  }
0xbb: {  	[tilespmem:s3], [sflag:$0x2] =	stream.linear.gather [hbm4b:s8+s2], $0x200, $0x38;
	[tilespmem:$0x400] =	vst v63  }
0xbc: {  	_ =	swait.ge [sflag:s4], $0x200  }
0xbd: {  	[sflag:s4] =	ssyncset.done $0x0  }
0xbe: {  	[sflag:s4] =	ssyncadd.s32 $0xFFFFFE00  }
0xbf: {  	[hbm4b:s9+s2] =	stream.linear.scatter [tilespmem:s2], [sflag:$0x3], $0x200, $0x38;
	[tilespmem:$0x400] =	vst v63  }
0xc0: {  	_ =	swait.ge [sflag:s5], $0x200  }
0xc1: {  	[sflag:s5] =	ssyncset.done $0x0  }
0xc2: {  	[sflag:s5] =	ssyncadd.s32 $0xFFFFFE00  }
0xc3: {  	[tilespmem:s2], [sflag:$0x1] =	stream.linear.gather [hbm4b:s10+s2], $0x200, $0x38;
	[tilespmem:$0x400] =	vst v63  }
0xc4: {  	_ =	swait.ge [sflag:s6], $0x200  }
0xc5: {  	[sflag:s6] =	ssyncset.done $0x0  }
0xc6: {  	[sflag:s6] =	ssyncadd.s32 $0xFFFFFE00  }
0xc7: {  	[hbm4b:s11+s2] =	stream.linear.scatter [tilespmem:s3], [sflag:$0x4], $0x200, $0x38;
	[tilespmem:$0x400] =	vst v63  }
0xc8: {  	_ =	swait.ge [sflag:s7], $0x200  }
0xc9: {  	[sflag:s7] =	ssyncset.done $0x0  }
0xca: {  	[sflag:s7] =	ssyncadd.s32 $0xFFFFFE00  }
0xcb: {  	[tilespmem:s3], [sflag:$0x2] =	stream.linear.gather [hbm4b:s12+s2], $0x200, $0x38;
	[tilespmem:$0x400] =	vst v63  }
0xcc: {  	_ =	swait.ge [sflag:s4], $0x200  }
0xcd: {  	[sflag:s4] =	ssyncset.done $0x0  }
0xce: {  	[sflag:s4] =	ssyncadd.s32 $0xFFFFFE00  }
0xcf: {  	[hbm4b:s13+s2] =	stream.linear.scatter [tilespmem:s2], [sflag:$0x3], $0x200, $0x38;
	[tilespmem:$0x400] =	vst v63  }
0xd0: {  	_ =	swait.ge [sflag:s5], $0x200  }
0xd1: {  	[sflag:s5] =	ssyncset.done $0x0  }
0xd2: {  	[sflag:s5] =	ssyncadd.s32 $0xFFFFFE00  }
0xd3: {  	[tilespmem:s2], [sflag:$0x1] =	stream.linear.gather [hbm4b:s14+s2], $0x200, $0x38;
	[tilespmem:$0x400] =	vst v63  }
0xd4: {  	_ =	swait.ge [sflag:s6], $0x200  }
0xd5: {  	[sflag:s6] =	ssyncset.done $0x0  }
0xd6: {  	[sflag:s6] =	ssyncadd.s32 $0xFFFFFE00  }
0xd7: {  	[hbm4b:s15+s2] =	stream.linear.scatter [tilespmem:s3], [sflag:$0x4], $0x200, $0x38;
	[tilespmem:$0x400] =	vst v63  }
0xd8: {  	_ =	swait.ge [sflag:s7], $0x200  }
0xd9: {  	[sflag:s7] =	ssyncset.done $0x0  }
0xda: {  	[sflag:s7] =	ssyncadd.s32 $0xFFFFFE00  }
0xdb: {  	[tilespmem:s3], [sflag:$0x2] =	stream.linear.gather [hbm4b:s16+s2], $0x200, $0x38;
	[tilespmem:$0x400] =	vst v63  }
0xdc: {  	_ =	swait.ge [sflag:s4], $0x200  }
0xdd: {  	[sflag:s4] =	ssyncset.done $0x0  }
0xde: {  	[sflag:s4] =	ssyncadd.s32 $0xFFFFFE00  }
0xdf: {  	[hbm4b:s17+s2] =	stream.linear.scatter [tilespmem:s2], [sflag:$0x3], $0x200, $0x38;
	[tilespmem:$0x400] =	vst v63  }
0xe0: {  	_ =	swait.ge [sflag:s5], $0x200  }
0xe1: {  	[sflag:s5] =	ssyncset.done $0x0  }
0xe2: {  	[sflag:s5] =	ssyncadd.s32 $0xFFFFFE00  }
0xe3: {  	[tilespmem:s2], [sflag:$0x1] =	stream.linear.gather [hbm4b:s18+s2], $0x200, $0x38;
	[tilespmem:$0x400] =	vst v63  }
0xe4: {  	_ =	swait.ge [sflag:s6], $0x200  }
0xe5: {  	[sflag:s6] =	ssyncset.done $0x0  }
0xe6: {  	[sflag:s6] =	ssyncadd.s32 $0xFFFFFE00  }
0xe7: {  	[hbm4b:s19+s2] =	stream.linear.scatter [tilespmem:s3], [sflag:$0x4], $0x200, $0x38;
	[tilespmem:$0x400] =	vst v63  }
0xe8: {  	_ =	swait.ge [sflag:s7], $0x200  }
0xe9: {  	[sflag:s7] =	ssyncset.done $0x0  }
0xea: {  	[sflag:s7] =	ssyncadd.s32 $0xFFFFFE00  }
0xeb: {  	[tilespmem:s3], [sflag:$0x2] =	stream.linear.gather [hbm4b:s20+s2], $0x200, $0x38;
	[tilespmem:$0x400] =	vst v63  }
0xec: {  	_ =	swait.ge [sflag:s4], $0x200  }
0xed: {  	[sflag:s4] =	ssyncset.done $0x0  }
0xee: {  	[sflag:s4] =	ssyncadd.s32 $0xFFFFFE00  }
0xef: {  	[hbm4b:s21+s2] =	stream.linear.scatter [tilespmem:s2], [sflag:$0x3], $0x200, $0x38;
	[tilespmem:$0x400] =	vst v63  }
0xf0: {  	_ =	swait.ge [sflag:s5], $0x200  }
0xf1: {  	[sflag:s5] =	ssyncset.done $0x0  }
0xf2: {  	[sflag:s5] =	ssyncadd.s32 $0xFFFFFE00  }
0xf3: {  	[tilespmem:s2], [sflag:$0x1] =	stream.linear.gather [hbm4b:s22+s2], $0x200, $0x38;
	[tilespmem:$0x400] =	vst v63  }
0xf4: {  	_ =	swait.ge [sflag:s6], $0x200  }
0xf5: {  	[sflag:s6] =	ssyncset.done $0x0  }
0xf6: {  	[sflag:s6] =	ssyncadd.s32 $0xFFFFFE00  }
0xf7: {  	[hbm4b:s23+s2] =	stream.linear.scatter [tilespmem:s3], [sflag:$0x4], $0x200, $0x38;
	[tilespmem:$0x400] =	vst v63  }
0xf8: {  	_ =	swait.ge [sflag:s7], $0x200  }
0xf9: {  	[sflag:s7] =	ssyncset.done $0x0  }
0xfa: {  	[sflag:s7] =	ssyncadd.s32 $0xFFFFFE00  }
0xfb: {  	[tilespmem:s3], [sflag:$0x2] =	stream.linear.gather [hbm4b:s24+s2], $0x200, $0x38;
	[tilespmem:$0x400] =	vst v63  }
0xfc: {  	_ =	swait.ge [sflag:s4], $0x200  }
0xfd: {  	[sflag:s4] =	ssyncset.done $0x0  }
0xfe: {  	[sflag:s4] =	ssyncadd.s32 $0xFFFFFE00  }
0xff: {  	[hbm4b:s25+s2] =	stream.linear.scatter [tilespmem:s2], [sflag:$0x3], $0x200, $0x38;
	[tilespmem:$0x400] =	vst v63  }
0x100: {  	_ =	swait.ge [sflag:s5], $0x200  }
0x101: {  	[sflag:s5] =	ssyncset.done $0x0  }
0x102: {  	[sflag:s5] =	ssyncadd.s32 $0xFFFFFE00  }
0x103: {  	[tilespmem:s2], [sflag:$0x1] =	stream.linear.gather [hbm4b:s26+s2], $0x200, $0x38;
	[tilespmem:$0x400] =	vst v63  }
0x104: {  	_ =	swait.ge [sflag:s6], $0x200  }
0x105: {  	[sflag:s6] =	ssyncset.done $0x0  }
0x106: {  	[sflag:s6] =	ssyncadd.s32 $0xFFFFFE00  }
0x107: {  	[hbm4b:s28+s2] =	stream.linear.scatter [tilespmem:s3], [sflag:$0x4], $0x200, $0x38;
	[tilespmem:$0x400] =	vst v63  }
0x108: {  	_ =	swait.ge [sflag:s7], $0x200  }
0x109: {  	[sflag:s7] =	ssyncset.done $0x0  }
0x10a: {  	[sflag:s7] =	ssyncadd.s32 $0xFFFFFE00  }
0x10b: {  	[tilespmem:s3], [sflag:$0x2] =	stream.linear.gather [hbm4b:s29+s2], $0x200, $0x38;
	[tilespmem:$0x400] =	vst v63  }
0x10c: {  	_ =	swait.ge [sflag:s4], $0x200  }
0x10d: {  	[sflag:s4] =	ssyncset.done $0x0  }
0x10e: {  	[sflag:s4] =	ssyncadd.s32 $0xFFFFFE00  }
0x10f: {  	[hbm4b:s30+s2] =	stream.linear.scatter [tilespmem:s2], [sflag:$0x3], $0x200, $0x38;
	[tilespmem:$0x400] =	vst v63  }
0x110: {  	_ =	swait.ge [sflag:s6], $0x200  }
0x111: {  	[sflag:s6] =	ssyncset.done $0x0  }
0x112: {  	p0 =	sne.s32 s1, $0x1;
	[sflag:s6] =	ssyncadd.s32 $0xFFFFFE00  }
0x113: {  	[hbm4b:s31+s2] =	stream.linear.scatter [tilespmem:s3], [sflag:$0x4], $0x200, $0x38;
	[tilespmem:$0x400] =	vst v63  }
.Ltmp1:
0x114: {  	_ =	swait.ge [sflag:s5], $0x200;
	(pc) =	sbr.rel @p0 .LBB2_1-.Ltmp1, $4  }
0x115: {  	[sflag:s5] =	ssyncset.done $0x0  }
0x116: {  	[sflag:s5] =	ssyncadd.s32 $0xFFFFFE00  }
0x117: {  	_ =	swait.ge [sflag:s7], $0x200  }
0x118: {  	s1 =	sadd.s32 $0xFFFFFFFF, s1;
	[sflag:s7] =	ssyncset.done $0x0  }
.LBB2_2:
0x119: {  	[sflag:s7] =	ssyncadd.s32 $0xFFFFFE00  }
0x11a: {  	_ =	sfence.sel $0x180000  }
0x11b: {  	[bflag:$0x0] =	sbarrier.arrive $0xFFFF  }
0x11c: {  	_ =	strace $0x90000047  }
0x11d: {  	s0 =	stileid.u32;
	[bflag:$0x2] =	sbarrier.arrive $0xFFFF  }
0x11e: {  	p0 =	sne.s32 s0, $0x0;
	s0 =	rddreg [dreg:$0x3]  }
0x11f: {  	s0 =	sadd.s32 @!p0 $0x100000, s0  }
0x120: {  	[sflag:s0] =	ssyncadd.tile.s32 @!p0 $0x1;
	_ =	shalt  }
.Lfunc_end2:
_tile_overlayer_lowered:
.L_overlay_start_2:
0x121: {  	(tag) =	ssettag $0x2  }
0x122: {  	s0 =	rddreg [dreg:$0x0];
	s2 =	stileid.u32  }
0x123: {  	s1 =	rddreg [dreg:$0x1];
	p0 =	sne.s32 s2, $0x0  }
0x124: {  	s3 =	rddreg [dreg:$0x2];
	[bflag:$0x3] =	sbarrier.arrive $0xFFFF;
	s2 =	simm.s32 @!p0 $0x1C05  }
0x125: {  	[timem:s3], [sflag:s2] =	dma.local @!p0 [hbm:s0], s1  }
0x126: {  	s0 =	simm.s32 @!p0 $0x5  }
0x127: {  	_ =	swait.ge @!p0 [sflag:s0], s1  }
0x128: {  	s1 =	ssub.s32 @!p0 $0x0, s1;
	[sflag:s0] =	ssyncset.done @!p0 $0x0  }
0x129: {  	[sflag:s0] =	ssyncadd.s32 @!p0 s1  }
0x12a: {  	[bflag:$0x3] =	sbarrier.arrive $0xFFFF  }
0x12b: {  	_ =	shalt  }

</sc_bundles>
